<compile_context>
chip_gen: v7x
topology: tpu7x:2x2x1
jax: 0.10.2.dev20260603
libtpu: 0.0.44.dev20260713+nightly
codegen_flags: <defaults>
</compile_context>

<pallas_src>
import functools

import jax
import jax.numpy as jnp
from jax import lax
from jax.experimental import pallas as pl
from jax.experimental.pallas import tpu as pltpu
from jax.experimental.pallas import tpu_sc as plsc

TOTAL_C = 256

NC = 2
NS = 16
NW = NC * NS

CHUNK = 16
ZCHUNK = 8


def _sc_scatter(x2, dst_idx, pad_idx, n_rows, n_pad_rows, hw):
    rows_per_w = n_rows // NW
    prows_per_w = n_pad_rows // NW
    n_chunks = rows_per_w // CHUNK
    n_pchunks = prows_per_w // ZCHUNK

    mesh = plsc.VectorSubcoreMesh(core_axis_name="c", subcore_axis_name="s")

    @functools.partial(
        pl.kernel,
        mesh=mesh,
        compiler_params=pltpu.CompilerParams(use_tc_tiling_on_sc=False),
        out_type=jax.ShapeDtypeStruct((n_rows + n_pad_rows, hw), jnp.float32),
        scratch_types=[
            pltpu.VMEM((n_chunks, CHUNK), jnp.int32),
            pltpu.VMEM((n_pchunks, ZCHUNK), jnp.int32),
            pltpu.VMEM((CHUNK, hw), jnp.float32),
            pltpu.VMEM((CHUNK, hw), jnp.float32),
            pltpu.VMEM((ZCHUNK, hw), jnp.float32),
            pltpu.SemaphoreType.DMA,
            pltpu.SemaphoreType.DMA,
            pltpu.SemaphoreType.DMA,
            pltpu.SemaphoreType.DMA,
            pltpu.SemaphoreType.DMA,
        ],
    )
    def k(x_hbm, dsti_hbm, padi_hbm, out_hbm,
          idx_v, pidx_v, buf0, buf1, zbuf, gs0, gs1, ss0, ss1, zsem):
        wid = lax.axis_index("s") * NC + lax.axis_index("c")
        buf = (buf0, buf1)
        gsem = (gs0, gs1)
        ssem = (ss0, ss1)
        row0 = wid * rows_per_w

        gh = {}
        gh[0] = pltpu.async_copy(
            x_hbm.at[pl.ds(row0, CHUNK)], buf[0], gsem[0])

        pltpu.sync_copy(dsti_hbm.at[wid], idx_v)
        pltpu.sync_copy(padi_hbm.at[wid], pidx_v)

        zvec = jnp.zeros((16,), jnp.float32)
        for i in range(ZCHUNK):

            def zfill(kk, carry, _i=i):
                zbuf[_i, pl.ds(kk * 16, 16)] = zvec
                return carry

            lax.fori_loop(0, hw // 16, zfill, 0)

        zh = [
            pltpu.async_copy(zbuf, out_hbm.at[pidx_v.at[j]], zsem)
            for j in range(n_pchunks)
        ]

        sh = {}
        for j in range(n_chunks):
            cur = j & 1
            gh[j].wait()
            sh[j] = pltpu.async_copy(
                buf[cur], out_hbm.at[idx_v.at[j]], ssem[cur])
            if j + 1 < n_chunks:
                if j >= 1:
                    sh[j - 1].wait()
                gh[j + 1] = pltpu.async_copy(
                    x_hbm.at[pl.ds(row0 + (j + 1) * CHUNK, CHUNK)],
                    buf[1 - cur], gsem[1 - cur])
        if n_chunks >= 2:
            sh[n_chunks - 2].wait()
        sh[n_chunks - 1].wait()
        for h in zh:
            h.wait()

    return k(x2, dst_idx, pad_idx)


def kernel(x, conv_forward_indices):
    b, c_in, h, w = x.shape
    hw = h * w
    idx = conv_forward_indices.astype(jnp.int32)

    base = jnp.arange(b, dtype=jnp.int32)[:, None] * TOTAL_C
    dst_rows = (base + idx[None, :]).reshape(NW, -1, CHUNK)

    covered = jnp.zeros((TOTAL_C,), jnp.bool_).at[idx].set(True)
    pad_ch = jnp.nonzero(
        ~covered, size=TOTAL_C - c_in, fill_value=0)[0].astype(jnp.int32)
    pad_rows = (base + pad_ch[None, :]).reshape(NW, -1, ZCHUNK)

    x2 = x.reshape(b * c_in, hw)
    out2 = _sc_scatter(
        x2, dst_rows, pad_rows, b * c_in, b * (TOTAL_C - c_in), hw)
    return out2.reshape(b, TOTAL_C, h, w)

# --- scband reference (transcript-rebuilt; emitter-appended) ---
"""Pipeline reference for scband-channel-padding-layer-13116830122615 (READ-ONLY COPY).

The authoritative reference and input builder live on the scoring server;
editing this copy changes nothing except your own understanding.
"""

import jax, jax.numpy as jnp
import numpy as np

TOTAL_C = 256
IN_C = 192


def _compute_forward_mask():
    # Faithful port of ChannelPaddingLayer.calculate_forward_mask
    in_channels_mask = np.zeros(TOTAL_C, dtype=bool)
    in_channels_mask[:IN_C] = True
    out_channels_mask = np.ones(TOTAL_C, dtype=bool)
    conv_forward_mask = np.zeros(out_channels_mask.shape, dtype=bool)
    conv_forward_mask[in_channels_mask] = True
    actual_conv_forward_mask = conv_forward_mask[out_channels_mask]
    actual_conv_forward_indices = np.nonzero(actual_conv_forward_mask)[0].astype(np.int32)
    actual_conv_out_channels = actual_conv_forward_mask.shape[0]
    return actual_conv_out_channels, actual_conv_forward_indices


def setup_inputs(seed: int = 0) -> dict:
    key = jax.random.key(seed)
    x = jax.random.normal(key, (32, IN_C, 56, 56), dtype=jnp.float32)
    _, idx = _compute_forward_mask()
    return {"x": x, "conv_forward_indices": jnp.asarray(idx)}


def reference(x, conv_forward_indices):
    conv_out_channels, _ = _compute_forward_mask()
    out = jnp.zeros((x.shape[0], conv_out_channels, x.shape[2], x.shape[3]), dtype=x.dtype)
    out = out.at[:, conv_forward_indices].set(x)
    return out

if __name__ == "__main__":
    import jax
    _d = setup_inputs()
    print(jax.jit(kernel)(*tuple(_d.values())))

</pallas_src>

<mosaic_0001>
#map = affine_map<(d0, d1) -> (0, 0)>
#map1 = affine_map<(d0, d1) -> (0, 0, 0)>
module attributes {stable_mosaic.version = 14 : i64} {
  func.func @k(%arg0: i32, %arg1: i32, %arg2: memref<6144x3136xf32, #tpu.memory_space<hbm>>, %arg3: memref<32x12x16xi32, #tpu.memory_space<hbm>>, %arg4: memref<32x8x8xi32, #tpu.memory_space<hbm>>, %arg5: memref<8192x3136xf32, #tpu.memory_space<hbm>>, %arg6: memref<12x16xi32, #tpu.memory_space<vmem>>, %arg7: memref<8x8xi32, #tpu.memory_space<vmem>>, %arg8: memref<16x3136xf32, #tpu.memory_space<vmem>>, %arg9: memref<16x3136xf32, #tpu.memory_space<vmem>>, %arg10: memref<8x3136xf32, #tpu.memory_space<vmem>>, %arg11: memref<!tpu.dma_semaphore, #tpu.memory_space<semaphore_mem>>, %arg12: memref<!tpu.dma_semaphore, #tpu.memory_space<semaphore_mem>>, %arg13: memref<!tpu.dma_semaphore, #tpu.memory_space<semaphore_mem>>, %arg14: memref<!tpu.dma_semaphore, #tpu.memory_space<semaphore_mem>>, %arg15: memref<!tpu.dma_semaphore, #tpu.memory_space<semaphore_mem>>) attributes {dimension_semantics = [#tpu.dimension_semantics<core_parallel>, #tpu.dimension_semantics<subcore_parallel>], iteration_bounds = array<i64: 2, 16>, scalar_prefetch = 0 : i64, scratch_operands = 10 : i64, tpu.core_type = #tpu.core_type<sc_vector_subcore>, window_params = [{transform_indices = #map}, {transform_indices = #map1}, {transform_indices = #map1}, {transform_indices = #map}]} {
    %mul3A = arith.constant 2 : i32
    %mul3A_0 = arith.muli %arg1, %mul3A : i32
    %add3A = arith.addi %mul3A_0, %arg0 : i32
    %mul3A_1 = arith.constant 192 : i32
    %mul3A_2 = arith.muli %add3A, %mul3A_1 : i32
    %dma_start3A = arith.constant 0 : i32
    %dma_start3A_3 = tpu.memref_slice %arg2[%mul3A_2, %dma_start3A] : memref<6144x3136xf32, #tpu.memory_space<hbm>> -> memref<16x3136xf32, #tpu.memory_space<hbm>>
    %dma_start3A_4 = arith.constant 0 : i32
    %dma_start3A_5 = tpu.memref_slice %arg2[%mul3A_2, %dma_start3A_4] : memref<6144x3136xf32, #tpu.memory_space<hbm>> -> memref<16x3136xf32, #tpu.memory_space<hbm>>
    tpu.enqueue_dma source(%dma_start3A_5 : memref<16x3136xf32, #tpu.memory_space<hbm>>) target(%arg8 : memref<16x3136xf32, #tpu.memory_space<vmem>>) target_semaphore(%arg11 : memref<!tpu.dma_semaphore, #tpu.memory_space<semaphore_mem>>)
    "tpu.region"() ({
      %run_scoped3A = tpu.sem_alloc : memref<!tpu.dma_semaphore, #tpu.memory_space<semaphore_mem>>
      %dma_start3A_447 = arith.constant 0 : i32
      %dma_start3A_448 = arith.constant 0 : i32
      %dma_start3A_449 = tpu.memref_slice %arg3[%add3A, %dma_start3A_447, %dma_start3A_448] : memref<32x12x16xi32, #tpu.memory_space<hbm>> -> memref<1x12x16xi32, #tpu.memory_space<hbm>>
      %dma_start3A_450 = tpu.memref_squeeze %dma_start3A_449 : memref<1x12x16xi32, #tpu.memory_space<hbm>> -> memref<12x16xi32, #tpu.memory_space<hbm>>
      %dma_start3A_451 = arith.constant 0 : i32
      %dma_start3A_452 = arith.constant 0 : i32
      %dma_start3A_453 = tpu.memref_slice %arg3[%add3A, %dma_start3A_451, %dma_start3A_452] : memref<32x12x16xi32, #tpu.memory_space<hbm>> -> memref<1x12x16xi32, #tpu.memory_space<hbm>>
      %dma_start3A_454 = tpu.memref_squeeze %dma_start3A_453 : memref<1x12x16xi32, #tpu.memory_space<hbm>> -> memref<12x16xi32, #tpu.memory_space<hbm>>
      tpu.enqueue_dma source(%dma_start3A_454 : memref<12x16xi32, #tpu.memory_space<hbm>>) target(%arg6 : memref<12x16xi32, #tpu.memory_space<vmem>>) target_semaphore(%run_scoped3A : memref<!tpu.dma_semaphore, #tpu.memory_space<semaphore_mem>>)
      %dma_wait3A_455 = arith.constant 0 : i32
      %dma_wait3A_456 = arith.constant 0 : i32
      %dma_wait3A_457 = tpu.memref_slice %arg3[%add3A, %dma_wait3A_455, %dma_wait3A_456] : memref<32x12x16xi32, #tpu.memory_space<hbm>> -> memref<1x12x16xi32, #tpu.memory_space<hbm>>
      %dma_wait3A_458 = tpu.memref_squeeze %dma_wait3A_457 : memref<1x12x16xi32, #tpu.memory_space<hbm>> -> memref<12x16xi32, #tpu.memory_space<hbm>>
      %dma_wait3A_459 = arith.constant 0 : i32
      %dma_wait3A_460 = arith.constant 0 : i32
      %dma_wait3A_461 = tpu.memref_slice %arg3[%add3A, %dma_wait3A_459, %dma_wait3A_460] : memref<32x12x16xi32, #tpu.memory_space<hbm>> -> memref<1x12x16xi32, #tpu.memory_space<hbm>>
      %dma_wait3A_462 = tpu.memref_squeeze %dma_wait3A_461 : memref<1x12x16xi32, #tpu.memory_space<hbm>> -> memref<12x16xi32, #tpu.memory_space<hbm>>
      tpu.wait_dma2 semaphore(%run_scoped3A : memref<!tpu.dma_semaphore, #tpu.memory_space<semaphore_mem>>) src(%dma_wait3A_462 : memref<12x16xi32, #tpu.memory_space<hbm>>) dst(%arg6 : memref<12x16xi32, #tpu.memory_space<vmem>>)
      tpu.yield
    }) : () -> ()
    "tpu.region"() ({
      %run_scoped3A = tpu.sem_alloc : memref<!tpu.dma_semaphore, #tpu.memory_space<semaphore_mem>>
      %dma_start3A_447 = arith.constant 0 : i32
      %dma_start3A_448 = arith.constant 0 : i32
      %dma_start3A_449 = tpu.memref_slice %arg4[%add3A, %dma_start3A_447, %dma_start3A_448] : memref<32x8x8xi32, #tpu.memory_space<hbm>> -> memref<1x8x8xi32, #tpu.memory_space<hbm>>
      %dma_start3A_450 = tpu.memref_squeeze %dma_start3A_449 : memref<1x8x8xi32, #tpu.memory_space<hbm>> -> memref<8x8xi32, #tpu.memory_space<hbm>>
      %dma_start3A_451 = arith.constant 0 : i32
      %dma_start3A_452 = arith.constant 0 : i32
      %dma_start3A_453 = tpu.memref_slice %arg4[%add3A, %dma_start3A_451, %dma_start3A_452] : memref<32x8x8xi32, #tpu.memory_space<hbm>> -> memref<1x8x8xi32, #tpu.memory_space<hbm>>
      %dma_start3A_454 = tpu.memref_squeeze %dma_start3A_453 : memref<1x8x8xi32, #tpu.memory_space<hbm>> -> memref<8x8xi32, #tpu.memory_space<hbm>>
      tpu.enqueue_dma source(%dma_start3A_454 : memref<8x8xi32, #tpu.memory_space<hbm>>) target(%arg7 : memref<8x8xi32, #tpu.memory_space<vmem>>) target_semaphore(%run_scoped3A : memref<!tpu.dma_semaphore, #tpu.memory_space<semaphore_mem>>)
      %dma_wait3A_455 = arith.constant 0 : i32
      %dma_wait3A_456 = arith.constant 0 : i32
      %dma_wait3A_457 = tpu.memref_slice %arg4[%add3A, %dma_wait3A_455, %dma_wait3A_456] : memref<32x8x8xi32, #tpu.memory_space<hbm>> -> memref<1x8x8xi32, #tpu.memory_space<hbm>>
      %dma_wait3A_458 = tpu.memref_squeeze %dma_wait3A_457 : memref<1x8x8xi32, #tpu.memory_space<hbm>> -> memref<8x8xi32, #tpu.memory_space<hbm>>
      %dma_wait3A_459 = arith.constant 0 : i32
      %dma_wait3A_460 = arith.constant 0 : i32
      %dma_wait3A_461 = tpu.memref_slice %arg4[%add3A, %dma_wait3A_459, %dma_wait3A_460] : memref<32x8x8xi32, #tpu.memory_space<hbm>> -> memref<1x8x8xi32, #tpu.memory_space<hbm>>
      %dma_wait3A_462 = tpu.memref_squeeze %dma_wait3A_461 : memref<1x8x8xi32, #tpu.memory_space<hbm>> -> memref<8x8xi32, #tpu.memory_space<hbm>>
      tpu.wait_dma2 semaphore(%run_scoped3A : memref<!tpu.dma_semaphore, #tpu.memory_space<semaphore_mem>>) src(%dma_wait3A_462 : memref<8x8xi32, #tpu.memory_space<hbm>>) dst(%arg7 : memref<8x8xi32, #tpu.memory_space<vmem>>)
      tpu.yield
    }) : () -> ()
    %broadcast_in_dim3A = arith.constant 0.000000e+00 : f32
    %broadcast_in_dim3A_6 = vector.broadcast %broadcast_in_dim3A : f32 to vector<16xf32>
    %scan3A = arith.constant 0 : i32
    %scan3A_7 = arith.constant 0 : i32
    %scan3A_8 = arith.constant 196 : i32
    %scan3A_9 = arith.addi %scan3A_7, %scan3A_8 : i32
    %scan3A_10 = arith.constant 1 : i32
    scf.for %scan3A_447 = %scan3A_7 to %scan3A_9 step %scan3A_10  : i32 {
      %mul3A_448 = arith.constant 16 : i32
      %mul3A_449 = arith.muli %scan3A_447, %mul3A_448 : i32
      %swap3A = arith.constant 0 : i32
      %swap3A_450 = arith.index_cast %swap3A : i32 to index
      %swap3A_451 = arith.index_cast %mul3A_449 : i32 to index
      %swap3A_452 = tpu.vector_load %arg10[%swap3A_450, %swap3A_451] {strides = array<i32>} : memref<8x3136xf32, #tpu.memory_space<vmem>>, vector<1x16xf32>,
      %swap3A_453 = vector.shape_cast %swap3A_452 : vector<1x16xf32> to vector<16xf32>
      %swap3A_454 = vector.shape_cast %broadcast_in_dim3A_6 : vector<16xf32> to vector<1x16xf32>
      tpu.vector_store %arg10[%swap3A_450, %swap3A_451], %swap3A_454 {strides = array<i32>} : memref<8x3136xf32, #tpu.memory_space<vmem>>, vector<1x16xf32>,
    }
    %scan3A_11 = arith.constant 196 : i32
    %scan3A_12 = arith.constant 0 : i32
    %scan3A_13 = arith.constant 0 : i32
    %scan3A_14 = arith.constant 196 : i32
    %scan3A_15 = arith.addi %scan3A_13, %scan3A_14 : i32
    %scan3A_16 = arith.constant 1 : i32
    scf.for %scan3A_447 = %scan3A_13 to %scan3A_15 step %scan3A_16  : i32 {
      %mul3A_448 = arith.constant 16 : i32
      %mul3A_449 = arith.muli %scan3A_447, %mul3A_448 : i32
      %swap3A = arith.constant 1 : i32
      %swap3A_450 = arith.index_cast %swap3A : i32 to index
      %swap3A_451 = arith.index_cast %mul3A_449 : i32 to index
      %swap3A_452 = tpu.vector_load %arg10[%swap3A_450, %swap3A_451] {strides = array<i32>} : memref<8x3136xf32, #tpu.memory_space<vmem>>, vector<1x16xf32>,
      %swap3A_453 = vector.shape_cast %swap3A_452 : vector<1x16xf32> to vector<16xf32>
      %swap3A_454 = vector.shape_cast %broadcast_in_dim3A_6 : vector<16xf32> to vector<1x16xf32>
      tpu.vector_store %arg10[%swap3A_450, %swap3A_451], %swap3A_454 {strides = array<i32>} : memref<8x3136xf32, #tpu.memory_space<vmem>>, vector<1x16xf32>,
    }
    %scan3A_17 = arith.constant 196 : i32
    %scan3A_18 = arith.constant 0 : i32
    %scan3A_19 = arith.constant 0 : i32
    %scan3A_20 = arith.constant 196 : i32
    %scan3A_21 = arith.addi %scan3A_19, %scan3A_20 : i32
    %scan3A_22 = arith.constant 1 : i32
    scf.for %scan3A_447 = %scan3A_19 to %scan3A_21 step %scan3A_22  : i32 {
      %mul3A_448 = arith.constant 16 : i32
      %mul3A_449 = arith.muli %scan3A_447, %mul3A_448 : i32
      %swap3A = arith.constant 2 : i32
      %swap3A_450 = arith.index_cast %swap3A : i32 to index
      %swap3A_451 = arith.index_cast %mul3A_449 : i32 to index
      %swap3A_452 = tpu.vector_load %arg10[%swap3A_450, %swap3A_451] {strides = array<i32>} : memref<8x3136xf32, #tpu.memory_space<vmem>>, vector<1x16xf32>,
      %swap3A_453 = vector.shape_cast %swap3A_452 : vector<1x16xf32> to vector<16xf32>
      %swap3A_454 = vector.shape_cast %broadcast_in_dim3A_6 : vector<16xf32> to vector<1x16xf32>
      tpu.vector_store %arg10[%swap3A_450, %swap3A_451], %swap3A_454 {strides = array<i32>} : memref<8x3136xf32, #tpu.memory_space<vmem>>, vector<1x16xf32>,
    }
    %scan3A_23 = arith.constant 196 : i32
    %scan3A_24 = arith.constant 0 : i32
    %scan3A_25 = arith.constant 0 : i32
    %scan3A_26 = arith.constant 196 : i32
    %scan3A_27 = arith.addi %scan3A_25, %scan3A_26 : i32
    %scan3A_28 = arith.constant 1 : i32
    scf.for %scan3A_447 = %scan3A_25 to %scan3A_27 step %scan3A_28  : i32 {
      %mul3A_448 = arith.constant 16 : i32
      %mul3A_449 = arith.muli %scan3A_447, %mul3A_448 : i32
      %swap3A = arith.constant 3 : i32
      %swap3A_450 = arith.index_cast %swap3A : i32 to index
      %swap3A_451 = arith.index_cast %mul3A_449 : i32 to index
      %swap3A_452 = tpu.vector_load %arg10[%swap3A_450, %swap3A_451] {strides = array<i32>} : memref<8x3136xf32, #tpu.memory_space<vmem>>, vector<1x16xf32>,
      %swap3A_453 = vector.shape_cast %swap3A_452 : vector<1x16xf32> to vector<16xf32>
      %swap3A_454 = vector.shape_cast %broadcast_in_dim3A_6 : vector<16xf32> to vector<1x16xf32>
      tpu.vector_store %arg10[%swap3A_450, %swap3A_451], %swap3A_454 {strides = array<i32>} : memref<8x3136xf32, #tpu.memory_space<vmem>>, vector<1x16xf32>,
    }
    %scan3A_29 = arith.constant 196 : i32
    %scan3A_30 = arith.constant 0 : i32
    %scan3A_31 = arith.constant 0 : i32
    %scan3A_32 = arith.constant 196 : i32
    %scan3A_33 = arith.addi %scan3A_31, %scan3A_32 : i32
    %scan3A_34 = arith.constant 1 : i32
    scf.for %scan3A_447 = %scan3A_31 to %scan3A_33 step %scan3A_34  : i32 {
      %mul3A_448 = arith.constant 16 : i32
      %mul3A_449 = arith.muli %scan3A_447, %mul3A_448 : i32
      %swap3A = arith.constant 4 : i32
      %swap3A_450 = arith.index_cast %swap3A : i32 to index
      %swap3A_451 = arith.index_cast %mul3A_449 : i32 to index
      %swap3A_452 = tpu.vector_load %arg10[%swap3A_450, %swap3A_451] {strides = array<i32>} : memref<8x3136xf32, #tpu.memory_space<vmem>>, vector<1x16xf32>,
      %swap3A_453 = vector.shape_cast %swap3A_452 : vector<1x16xf32> to vector<16xf32>
      %swap3A_454 = vector.shape_cast %broadcast_in_dim3A_6 : vector<16xf32> to vector<1x16xf32>
      tpu.vector_store %arg10[%swap3A_450, %swap3A_451], %swap3A_454 {strides = array<i32>} : memref<8x3136xf32, #tpu.memory_space<vmem>>, vector<1x16xf32>,
    }
    %scan3A_35 = arith.constant 196 : i32
    %scan3A_36 = arith.constant 0 : i32
    %scan3A_37 = arith.constant 0 : i32
    %scan3A_38 = arith.constant 196 : i32
    %scan3A_39 = arith.addi %scan3A_37, %scan3A_38 : i32
    %scan3A_40 = arith.constant 1 : i32
    scf.for %scan3A_447 = %scan3A_37 to %scan3A_39 step %scan3A_40  : i32 {
      %mul3A_448 = arith.constant 16 : i32
      %mul3A_449 = arith.muli %scan3A_447, %mul3A_448 : i32
      %swap3A = arith.constant 5 : i32
      %swap3A_450 = arith.index_cast %swap3A : i32 to index
      %swap3A_451 = arith.index_cast %mul3A_449 : i32 to index
      %swap3A_452 = tpu.vector_load %arg10[%swap3A_450, %swap3A_451] {strides = array<i32>} : memref<8x3136xf32, #tpu.memory_space<vmem>>, vector<1x16xf32>,
      %swap3A_453 = vector.shape_cast %swap3A_452 : vector<1x16xf32> to vector<16xf32>
      %swap3A_454 = vector.shape_cast %broadcast_in_dim3A_6 : vector<16xf32> to vector<1x16xf32>
      tpu.vector_store %arg10[%swap3A_450, %swap3A_451], %swap3A_454 {strides = array<i32>} : memref<8x3136xf32, #tpu.memory_space<vmem>>, vector<1x16xf32>,
    }
    %scan3A_41 = arith.constant 196 : i32
    %scan3A_42 = arith.constant 0 : i32
    %scan3A_43 = arith.constant 0 : i32
    %scan3A_44 = arith.constant 196 : i32
    %scan3A_45 = arith.addi %scan3A_43, %scan3A_44 : i32
    %scan3A_46 = arith.constant 1 : i32
    scf.for %scan3A_447 = %scan3A_43 to %scan3A_45 step %scan3A_46  : i32 {
      %mul3A_448 = arith.constant 16 : i32
      %mul3A_449 = arith.muli %scan3A_447, %mul3A_448 : i32
      %swap3A = arith.constant 6 : i32
      %swap3A_450 = arith.index_cast %swap3A : i32 to index
      %swap3A_451 = arith.index_cast %mul3A_449 : i32 to index
      %swap3A_452 = tpu.vector_load %arg10[%swap3A_450, %swap3A_451] {strides = array<i32>} : memref<8x3136xf32, #tpu.memory_space<vmem>>, vector<1x16xf32>,
      %swap3A_453 = vector.shape_cast %swap3A_452 : vector<1x16xf32> to vector<16xf32>
      %swap3A_454 = vector.shape_cast %broadcast_in_dim3A_6 : vector<16xf32> to vector<1x16xf32>
      tpu.vector_store %arg10[%swap3A_450, %swap3A_451], %swap3A_454 {strides = array<i32>} : memref<8x3136xf32, #tpu.memory_space<vmem>>, vector<1x16xf32>,
    }
    %scan3A_47 = arith.constant 196 : i32
    %scan3A_48 = arith.constant 0 : i32
    %scan3A_49 = arith.constant 0 : i32
    %scan3A_50 = arith.constant 196 : i32
    %scan3A_51 = arith.addi %scan3A_49, %scan3A_50 : i32
    %scan3A_52 = arith.constant 1 : i32
    scf.for %scan3A_447 = %scan3A_49 to %scan3A_51 step %scan3A_52  : i32 {
      %mul3A_448 = arith.constant 16 : i32
      %mul3A_449 = arith.muli %scan3A_447, %mul3A_448 : i32
      %swap3A = arith.constant 7 : i32
      %swap3A_450 = arith.index_cast %swap3A : i32 to index
      %swap3A_451 = arith.index_cast %mul3A_449 : i32 to index
      %swap3A_452 = tpu.vector_load %arg10[%swap3A_450, %swap3A_451] {strides = array<i32>} : memref<8x3136xf32, #tpu.memory_space<vmem>>, vector<1x16xf32>,
      %swap3A_453 = vector.shape_cast %swap3A_452 : vector<1x16xf32> to vector<16xf32>
      %swap3A_454 = vector.shape_cast %broadcast_in_dim3A_6 : vector<16xf32> to vector<1x16xf32>
      tpu.vector_store %arg10[%swap3A_450, %swap3A_451], %swap3A_454 {strides = array<i32>} : memref<8x3136xf32, #tpu.memory_space<vmem>>, vector<1x16xf32>,
    }
    %scan3A_53 = arith.constant 196 : i32
    %dma_start3A_54 = arith.constant 0 : i32
    %dma_start3A_55 = arith.constant 0 : i32
    %dma_start3A_56 = tpu.memref_slice %arg7[%dma_start3A_54, %dma_start3A_55] : memref<8x8xi32, #tpu.memory_space<vmem>> -> memref<1x8xi32, #tpu.memory_space<vmem>>
    %dma_start3A_57 = tpu.memref_squeeze %dma_start3A_56 : memref<1x8xi32, #tpu.memory_space<vmem>> -> memref<8xi32, #tpu.memory_space<vmem>>
    %dma_start3A_58 = arith.constant 0 : i32
    %dma_start3A_59 = arith.constant 0 : i32
    %dma_start3A_60 = tpu.memref_slice %arg5[%dma_start3A_58, %dma_start3A_59] : memref<8192x3136xf32, #tpu.memory_space<hbm>> -> memref<8192x3136xf32, #tpu.memory_space<hbm>>
    tpu.enqueue_indirect_dma source(%arg10 : memref<8x3136xf32, #tpu.memory_space<vmem>>) target(%dma_start3A_60 : memref<8192x3136xf32, #tpu.memory_space<hbm>>) offsets(%dma_start3A_57 : memref<8xi32, #tpu.memory_space<vmem>>) semaphore(%arg15 : memref<!tpu.dma_semaphore, #tpu.memory_space<semaphore_mem>>)
    %dma_start3A_61 = arith.constant 1 : i32
    %dma_start3A_62 = arith.constant 0 : i32
    %dma_start3A_63 = tpu.memref_slice %arg7[%dma_start3A_61, %dma_start3A_62] : memref<8x8xi32, #tpu.memory_space<vmem>> -> memref<1x8xi32, #tpu.memory_space<vmem>>
    %dma_start3A_64 = tpu.memref_squeeze %dma_start3A_63 : memref<1x8xi32, #tpu.memory_space<vmem>> -> memref<8xi32, #tpu.memory_space<vmem>>
    %dma_start3A_65 = arith.constant 0 : i32
    %dma_start3A_66 = arith.constant 0 : i32
    %dma_start3A_67 = tpu.memref_slice %arg5[%dma_start3A_65, %dma_start3A_66] : memref<8192x3136xf32, #tpu.memory_space<hbm>> -> memref<8192x3136xf32, #tpu.memory_space<hbm>>
    tpu.enqueue_indirect_dma source(%arg10 : memref<8x3136xf32, #tpu.memory_space<vmem>>) target(%dma_start3A_67 : memref<8192x3136xf32, #tpu.memory_space<hbm>>) offsets(%dma_start3A_64 : memref<8xi32, #tpu.memory_space<vmem>>) semaphore(%arg15 : memref<!tpu.dma_semaphore, #tpu.memory_space<semaphore_mem>>)
    %dma_start3A_68 = arith.constant 2 : i32
    %dma_start3A_69 = arith.constant 0 : i32
    %dma_start3A_70 = tpu.memref_slice %arg7[%dma_start3A_68, %dma_start3A_69] : memref<8x8xi32, #tpu.memory_space<vmem>> -> memref<1x8xi32, #tpu.memory_space<vmem>>
    %dma_start3A_71 = tpu.memref_squeeze %dma_start3A_70 : memref<1x8xi32, #tpu.memory_space<vmem>> -> memref<8xi32, #tpu.memory_space<vmem>>
    %dma_start3A_72 = arith.constant 0 : i32
    %dma_start3A_73 = arith.constant 0 : i32
    %dma_start3A_74 = tpu.memref_slice %arg5[%dma_start3A_72, %dma_start3A_73] : memref<8192x3136xf32, #tpu.memory_space<hbm>> -> memref<8192x3136xf32, #tpu.memory_space<hbm>>
    tpu.enqueue_indirect_dma source(%arg10 : memref<8x3136xf32, #tpu.memory_space<vmem>>) target(%dma_start3A_74 : memref<8192x3136xf32, #tpu.memory_space<hbm>>) offsets(%dma_start3A_71 : memref<8xi32, #tpu.memory_space<vmem>>) semaphore(%arg15 : memref<!tpu.dma_semaphore, #tpu.memory_space<semaphore_mem>>)
    %dma_start3A_75 = arith.constant 3 : i32
    %dma_start3A_76 = arith.constant 0 : i32
    %dma_start3A_77 = tpu.memref_slice %arg7[%dma_start3A_75, %dma_start3A_76] : memref<8x8xi32, #tpu.memory_space<vmem>> -> memref<1x8xi32, #tpu.memory_space<vmem>>
    %dma_start3A_78 = tpu.memref_squeeze %dma_start3A_77 : memref<1x8xi32, #tpu.memory_space<vmem>> -> memref<8xi32, #tpu.memory_space<vmem>>
    %dma_start3A_79 = arith.constant 0 : i32
    %dma_start3A_80 = arith.constant 0 : i32
    %dma_start3A_81 = tpu.memref_slice %arg5[%dma_start3A_79, %dma_start3A_80] : memref<8192x3136xf32, #tpu.memory_space<hbm>> -> memref<8192x3136xf32, #tpu.memory_space<hbm>>
    tpu.enqueue_indirect_dma source(%arg10 : memref<8x3136xf32, #tpu.memory_space<vmem>>) target(%dma_start3A_81 : memref<8192x3136xf32, #tpu.memory_space<hbm>>) offsets(%dma_start3A_78 : memref<8xi32, #tpu.memory_space<vmem>>) semaphore(%arg15 : memref<!tpu.dma_semaphore, #tpu.memory_space<semaphore_mem>>)
    %dma_start3A_82 = arith.constant 4 : i32
    %dma_start3A_83 = arith.constant 0 : i32
    %dma_start3A_84 = tpu.memref_slice %arg7[%dma_start3A_82, %dma_start3A_83] : memref<8x8xi32, #tpu.memory_space<vmem>> -> memref<1x8xi32, #tpu.memory_space<vmem>>
    %dma_start3A_85 = tpu.memref_squeeze %dma_start3A_84 : memref<1x8xi32, #tpu.memory_space<vmem>> -> memref<8xi32, #tpu.memory_space<vmem>>
    %dma_start3A_86 = arith.constant 0 : i32
    %dma_start3A_87 = arith.constant 0 : i32
    %dma_start3A_88 = tpu.memref_slice %arg5[%dma_start3A_86, %dma_start3A_87] : memref<8192x3136xf32, #tpu.memory_space<hbm>> -> memref<8192x3136xf32, #tpu.memory_space<hbm>>
    tpu.enqueue_indirect_dma source(%arg10 : memref<8x3136xf32, #tpu.memory_space<vmem>>) target(%dma_start3A_88 : memref<8192x3136xf32, #tpu.memory_space<hbm>>) offsets(%dma_start3A_85 : memref<8xi32, #tpu.memory_space<vmem>>) semaphore(%arg15 : memref<!tpu.dma_semaphore, #tpu.memory_space<semaphore_mem>>)
    %dma_start3A_89 = arith.constant 5 : i32
    %dma_start3A_90 = arith.constant 0 : i32
    %dma_start3A_91 = tpu.memref_slice %arg7[%dma_start3A_89, %dma_start3A_90] : memref<8x8xi32, #tpu.memory_space<vmem>> -> memref<1x8xi32, #tpu.memory_space<vmem>>
    %dma_start3A_92 = tpu.memref_squeeze %dma_start3A_91 : memref<1x8xi32, #tpu.memory_space<vmem>> -> memref<8xi32, #tpu.memory_space<vmem>>
    %dma_start3A_93 = arith.constant 0 : i32
    %dma_start3A_94 = arith.constant 0 : i32
    %dma_start3A_95 = tpu.memref_slice %arg5[%dma_start3A_93, %dma_start3A_94] : memref<8192x3136xf32, #tpu.memory_space<hbm>> -> memref<8192x3136xf32, #tpu.memory_space<hbm>>
    tpu.enqueue_indirect_dma source(%arg10 : memref<8x3136xf32, #tpu.memory_space<vmem>>) target(%dma_start3A_95 : memref<8192x3136xf32, #tpu.memory_space<hbm>>) offsets(%dma_start3A_92 : memref<8xi32, #tpu.memory_space<vmem>>) semaphore(%arg15 : memref<!tpu.dma_semaphore, #tpu.memory_space<semaphore_mem>>)
    %dma_start3A_96 = arith.constant 6 : i32
    %dma_start3A_97 = arith.constant 0 : i32
    %dma_start3A_98 = tpu.memref_slice %arg7[%dma_start3A_96, %dma_start3A_97] : memref<8x8xi32, #tpu.memory_space<vmem>> -> memref<1x8xi32, #tpu.memory_space<vmem>>
    %dma_start3A_99 = tpu.memref_squeeze %dma_start3A_98 : memref<1x8xi32, #tpu.memory_space<vmem>> -> memref<8xi32, #tpu.memory_space<vmem>>
    %dma_start3A_100 = arith.constant 0 : i32
    %dma_start3A_101 = arith.constant 0 : i32
    %dma_start3A_102 = tpu.memref_slice %arg5[%dma_start3A_100, %dma_start3A_101] : memref<8192x3136xf32, #tpu.memory_space<hbm>> -> memref<8192x3136xf32, #tpu.memory_space<hbm>>
    tpu.enqueue_indirect_dma source(%arg10 : memref<8x3136xf32, #tpu.memory_space<vmem>>) target(%dma_start3A_102 : memref<8192x3136xf32, #tpu.memory_space<hbm>>) offsets(%dma_start3A_99 : memref<8xi32, #tpu.memory_space<vmem>>) semaphore(%arg15 : memref<!tpu.dma_semaphore, #tpu.memory_space<semaphore_mem>>)
    %dma_start3A_103 = arith.constant 7 : i32
    %dma_start3A_104 = arith.constant 0 : i32
    %dma_start3A_105 = tpu.memref_slice %arg7[%dma_start3A_103, %dma_start3A_104] : memref<8x8xi32, #tpu.memory_space<vmem>> -> memref<1x8xi32, #tpu.memory_space<vmem>>
    %dma_start3A_106 = tpu.memref_squeeze %dma_start3A_105 : memref<1x8xi32, #tpu.memory_space<vmem>> -> memref<8xi32, #tpu.memory_space<vmem>>
    %dma_start3A_107 = arith.constant 0 : i32
    %dma_start3A_108 = arith.constant 0 : i32
    %dma_start3A_109 = tpu.memref_slice %arg5[%dma_start3A_107, %dma_start3A_108] : memref<8192x3136xf32, #tpu.memory_space<hbm>> -> memref<8192x3136xf32, #tpu.memory_space<hbm>>
    tpu.enqueue_indirect_dma source(%arg10 : memref<8x3136xf32, #tpu.memory_space<vmem>>) target(%dma_start3A_109 : memref<8192x3136xf32, #tpu.memory_space<hbm>>) offsets(%dma_start3A_106 : memref<8xi32, #tpu.memory_space<vmem>>) semaphore(%arg15 : memref<!tpu.dma_semaphore, #tpu.memory_space<semaphore_mem>>)
    %dma_wait3A = arith.constant 0 : i32
    %dma_wait3A_110 = tpu.memref_slice %arg2[%mul3A_2, %dma_wait3A] : memref<6144x3136xf32, #tpu.memory_space<hbm>> -> memref<16x3136xf32, #tpu.memory_space<hbm>>
    %dma_wait3A_111 = arith.constant 0 : i32
    %dma_wait3A_112 = tpu.memref_slice %arg2[%mul3A_2, %dma_wait3A_111] : memref<6144x3136xf32, #tpu.memory_space<hbm>> -> memref<16x3136xf32, #tpu.memory_space<hbm>>
    tpu.wait_dma2 semaphore(%arg11 : memref<!tpu.dma_semaphore, #tpu.memory_space<semaphore_mem>>) src(%dma_wait3A_112 : memref<16x3136xf32, #tpu.memory_space<hbm>>) dst(%arg8 : memref<16x3136xf32, #tpu.memory_space<vmem>>)
    %dma_start3A_113 = arith.constant 0 : i32
    %dma_start3A_114 = arith.constant 0 : i32
    %dma_start3A_115 = tpu.memref_slice %arg6[%dma_start3A_113, %dma_start3A_114] : memref<12x16xi32, #tpu.memory_space<vmem>> -> memref<1x16xi32, #tpu.memory_space<vmem>>
    %dma_start3A_116 = tpu.memref_squeeze %dma_start3A_115 : memref<1x16xi32, #tpu.memory_space<vmem>> -> memref<16xi32, #tpu.memory_space<vmem>>
    %dma_start3A_117 = arith.constant 0 : i32
    %dma_start3A_118 = arith.constant 0 : i32
    %dma_start3A_119 = tpu.memref_slice %arg5[%dma_start3A_117, %dma_start3A_118] : memref<8192x3136xf32, #tpu.memory_space<hbm>> -> memref<8192x3136xf32, #tpu.memory_space<hbm>>
    tpu.enqueue_indirect_dma source(%arg8 : memref<16x3136xf32, #tpu.memory_space<vmem>>) target(%dma_start3A_119 : memref<8192x3136xf32, #tpu.memory_space<hbm>>) offsets(%dma_start3A_116 : memref<16xi32, #tpu.memory_space<vmem>>) semaphore(%arg13 : memref<!tpu.dma_semaphore, #tpu.memory_space<semaphore_mem>>)
    %add3A_120 = arith.constant 16 : i32
    %add3A_121 = arith.addi %mul3A_2, %add3A_120 : i32
    %dma_start3A_122 = arith.constant 0 : i32
    %dma_start3A_123 = tpu.memref_slice %arg2[%add3A_121, %dma_start3A_122] : memref<6144x3136xf32, #tpu.memory_space<hbm>> -> memref<16x3136xf32, #tpu.memory_space<hbm>>
    %dma_start3A_124 = arith.constant 0 : i32
    %dma_start3A_125 = tpu.memref_slice %arg2[%add3A_121, %dma_start3A_124] : memref<6144x3136xf32, #tpu.memory_space<hbm>> -> memref<16x3136xf32, #tpu.memory_space<hbm>>
    tpu.enqueue_dma source(%dma_start3A_125 : memref<16x3136xf32, #tpu.memory_space<hbm>>) target(%arg9 : memref<16x3136xf32, #tpu.memory_space<vmem>>) target_semaphore(%arg12 : memref<!tpu.dma_semaphore, #tpu.memory_space<semaphore_mem>>)
    %dma_wait3A_126 = arith.constant 0 : i32
    %dma_wait3A_127 = tpu.memref_slice %arg2[%add3A_121, %dma_wait3A_126] : memref<6144x3136xf32, #tpu.memory_space<hbm>> -> memref<16x3136xf32, #tpu.memory_space<hbm>>
    %dma_wait3A_128 = arith.constant 0 : i32
    %dma_wait3A_129 = tpu.memref_slice %arg2[%add3A_121, %dma_wait3A_128] : memref<6144x3136xf32, #tpu.memory_space<hbm>> -> memref<16x3136xf32, #tpu.memory_space<hbm>>
    tpu.wait_dma2 semaphore(%arg12 : memref<!tpu.dma_semaphore, #tpu.memory_space<semaphore_mem>>) src(%dma_wait3A_129 : memref<16x3136xf32, #tpu.memory_space<hbm>>) dst(%arg9 : memref<16x3136xf32, #tpu.memory_space<vmem>>)
    %dma_start3A_130 = arith.constant 1 : i32
    %dma_start3A_131 = arith.constant 0 : i32
    %dma_start3A_132 = tpu.memref_slice %arg6[%dma_start3A_130, %dma_start3A_131] : memref<12x16xi32, #tpu.memory_space<vmem>> -> memref<1x16xi32, #tpu.memory_space<vmem>>
    %dma_start3A_133 = tpu.memref_squeeze %dma_start3A_132 : memref<1x16xi32, #tpu.memory_space<vmem>> -> memref<16xi32, #tpu.memory_space<vmem>>
    %dma_start3A_134 = arith.constant 0 : i32
    %dma_start3A_135 = arith.constant 0 : i32
    %dma_start3A_136 = tpu.memref_slice %arg5[%dma_start3A_134, %dma_start3A_135] : memref<8192x3136xf32, #tpu.memory_space<hbm>> -> memref<8192x3136xf32, #tpu.memory_space<hbm>>
    tpu.enqueue_indirect_dma source(%arg9 : memref<16x3136xf32, #tpu.memory_space<vmem>>) target(%dma_start3A_136 : memref<8192x3136xf32, #tpu.memory_space<hbm>>) offsets(%dma_start3A_133 : memref<16xi32, #tpu.memory_space<vmem>>) semaphore(%arg14 : memref<!tpu.dma_semaphore, #tpu.memory_space<semaphore_mem>>)
    %dma_wait3A_137 = arith.constant 0 : i32
    %dma_wait3A_138 = arith.constant 0 : i32
    %dma_wait3A_139 = tpu.memref_slice %arg6[%dma_wait3A_137, %dma_wait3A_138] : memref<12x16xi32, #tpu.memory_space<vmem>> -> memref<1x16xi32, #tpu.memory_space<vmem>>
    %dma_wait3A_140 = tpu.memref_squeeze %dma_wait3A_139 : memref<1x16xi32, #tpu.memory_space<vmem>> -> memref<16xi32, #tpu.memory_space<vmem>>
    %dma_wait3A_141 = arith.constant 0 : i32
    %dma_wait3A_142 = arith.constant 0 : i32
    %dma_wait3A_143 = tpu.memref_slice %arg5[%dma_wait3A_141, %dma_wait3A_142] : memref<8192x3136xf32, #tpu.memory_space<hbm>> -> memref<8192x3136xf32, #tpu.memory_space<hbm>>
    tpu.wait_indirect_dma semaphore(%arg13 : memref<!tpu.dma_semaphore, #tpu.memory_space<semaphore_mem>>) src(%arg8 : memref<16x3136xf32, #tpu.memory_space<vmem>>) dst(%dma_wait3A_143 : memref<8192x3136xf32, #tpu.memory_space<hbm>>)
    %add3A_144 = arith.constant 32 : i32
    %add3A_145 = arith.addi %mul3A_2, %add3A_144 : i32
    %dma_start3A_146 = arith.constant 0 : i32
    %dma_start3A_147 = tpu.memref_slice %arg2[%add3A_145, %dma_start3A_146] : memref<6144x3136xf32, #tpu.memory_space<hbm>> -> memref<16x3136xf32, #tpu.memory_space<hbm>>
    %dma_start3A_148 = arith.constant 0 : i32
    %dma_start3A_149 = tpu.memref_slice %arg2[%add3A_145, %dma_start3A_148] : memref<6144x3136xf32, #tpu.memory_space<hbm>> -> memref<16x3136xf32, #tpu.memory_space<hbm>>
    tpu.enqueue_dma source(%dma_start3A_149 : memref<16x3136xf32, #tpu.memory_space<hbm>>) target(%arg8 : memref<16x3136xf32, #tpu.memory_space<vmem>>) target_semaphore(%arg11 : memref<!tpu.dma_semaphore, #tpu.memory_space<semaphore_mem>>)
    %dma_wait3A_150 = arith.constant 0 : i32
    %dma_wait3A_151 = tpu.memref_slice %arg2[%add3A_145, %dma_wait3A_150] : memref<6144x3136xf32, #tpu.memory_space<hbm>> -> memref<16x3136xf32, #tpu.memory_space<hbm>>
    %dma_wait3A_152 = arith.constant 0 : i32
    %dma_wait3A_153 = tpu.memref_slice %arg2[%add3A_145, %dma_wait3A_152] : memref<6144x3136xf32, #tpu.memory_space<hbm>> -> memref<16x3136xf32, #tpu.memory_space<hbm>>
    tpu.wait_dma2 semaphore(%arg11 : memref<!tpu.dma_semaphore, #tpu.memory_space<semaphore_mem>>) src(%dma_wait3A_153 : memref<16x3136xf32, #tpu.memory_space<hbm>>) dst(%arg8 : memref<16x3136xf32, #tpu.memory_space<vmem>>)
    %dma_start3A_154 = arith.constant 2 : i32
    %dma_start3A_155 = arith.constant 0 : i32
    %dma_start3A_156 = tpu.memref_slice %arg6[%dma_start3A_154, %dma_start3A_155] : memref<12x16xi32, #tpu.memory_space<vmem>> -> memref<1x16xi32, #tpu.memory_space<vmem>>
    %dma_start3A_157 = tpu.memref_squeeze %dma_start3A_156 : memref<1x16xi32, #tpu.memory_space<vmem>> -> memref<16xi32, #tpu.memory_space<vmem>>
    %dma_start3A_158 = arith.constant 0 : i32
    %dma_start3A_159 = arith.constant 0 : i32
    %dma_start3A_160 = tpu.memref_slice %arg5[%dma_start3A_158, %dma_start3A_159] : memref<8192x3136xf32, #tpu.memory_space<hbm>> -> memref<8192x3136xf32, #tpu.memory_space<hbm>>
    tpu.enqueue_indirect_dma source(%arg8 : memref<16x3136xf32, #tpu.memory_space<vmem>>) target(%dma_start3A_160 : memref<8192x3136xf32, #tpu.memory_space<hbm>>) offsets(%dma_start3A_157 : memref<16xi32, #tpu.memory_space<vmem>>) semaphore(%arg13 : memref<!tpu.dma_semaphore, #tpu.memory_space<semaphore_mem>>)
    %dma_wait3A_161 = arith.constant 1 : i32
    %dma_wait3A_162 = arith.constant 0 : i32
    %dma_wait3A_163 = tpu.memref_slice %arg6[%dma_wait3A_161, %dma_wait3A_162] : memref<12x16xi32, #tpu.memory_space<vmem>> -> memref<1x16xi32, #tpu.memory_space<vmem>>
    %dma_wait3A_164 = tpu.memref_squeeze %dma_wait3A_163 : memref<1x16xi32, #tpu.memory_space<vmem>> -> memref<16xi32, #tpu.memory_space<vmem>>
    %dma_wait3A_165 = arith.constant 0 : i32
    %dma_wait3A_166 = arith.constant 0 : i32
    %dma_wait3A_167 = tpu.memref_slice %arg5[%dma_wait3A_165, %dma_wait3A_166] : memref<8192x3136xf32, #tpu.memory_space<hbm>> -> memref<8192x3136xf32, #tpu.memory_space<hbm>>
    tpu.wait_indirect_dma semaphore(%arg14 : memref<!tpu.dma_semaphore, #tpu.memory_space<semaphore_mem>>) src(%arg9 : memref<16x3136xf32, #tpu.memory_space<vmem>>) dst(%dma_wait3A_167 : memref<8192x3136xf32, #tpu.memory_space<hbm>>)
    %add3A_168 = arith.constant 48 : i32
    %add3A_169 = arith.addi %mul3A_2, %add3A_168 : i32
    %dma_start3A_170 = arith.constant 0 : i32
    %dma_start3A_171 = tpu.memref_slice %arg2[%add3A_169, %dma_start3A_170] : memref<6144x3136xf32, #tpu.memory_space<hbm>> -> memref<16x3136xf32, #tpu.memory_space<hbm>>
    %dma_start3A_172 = arith.constant 0 : i32
    %dma_start3A_173 = tpu.memref_slice %arg2[%add3A_169, %dma_start3A_172] : memref<6144x3136xf32, #tpu.memory_space<hbm>> -> memref<16x3136xf32, #tpu.memory_space<hbm>>
    tpu.enqueue_dma source(%dma_start3A_173 : memref<16x3136xf32, #tpu.memory_space<hbm>>) target(%arg9 : memref<16x3136xf32, #tpu.memory_space<vmem>>) target_semaphore(%arg12 : memref<!tpu.dma_semaphore, #tpu.memory_space<semaphore_mem>>)
    %dma_wait3A_174 = arith.constant 0 : i32
    %dma_wait3A_175 = tpu.memref_slice %arg2[%add3A_169, %dma_wait3A_174] : memref<6144x3136xf32, #tpu.memory_space<hbm>> -> memref<16x3136xf32, #tpu.memory_space<hbm>>
    %dma_wait3A_176 = arith.constant 0 : i32
    %dma_wait3A_177 = tpu.memref_slice %arg2[%add3A_169, %dma_wait3A_176] : memref<6144x3136xf32, #tpu.memory_space<hbm>> -> memref<16x3136xf32, #tpu.memory_space<hbm>>
    tpu.wait_dma2 semaphore(%arg12 : memref<!tpu.dma_semaphore, #tpu.memory_space<semaphore_mem>>) src(%dma_wait3A_177 : memref<16x3136xf32, #tpu.memory_space<hbm>>) dst(%arg9 : memref<16x3136xf32, #tpu.memory_space<vmem>>)
    %dma_start3A_178 = arith.constant 3 : i32
    %dma_start3A_179 = arith.constant 0 : i32
    %dma_start3A_180 = tpu.memref_slice %arg6[%dma_start3A_178, %dma_start3A_179] : memref<12x16xi32, #tpu.memory_space<vmem>> -> memref<1x16xi32, #tpu.memory_space<vmem>>
    %dma_start3A_181 = tpu.memref_squeeze %dma_start3A_180 : memref<1x16xi32, #tpu.memory_space<vmem>> -> memref<16xi32, #tpu.memory_space<vmem>>
    %dma_start3A_182 = arith.constant 0 : i32
    %dma_start3A_183 = arith.constant 0 : i32
    %dma_start3A_184 = tpu.memref_slice %arg5[%dma_start3A_182, %dma_start3A_183] : memref<8192x3136xf32, #tpu.memory_space<hbm>> -> memref<8192x3136xf32, #tpu.memory_space<hbm>>
    tpu.enqueue_indirect_dma source(%arg9 : memref<16x3136xf32, #tpu.memory_space<vmem>>) target(%dma_start3A_184 : memref<8192x3136xf32, #tpu.memory_space<hbm>>) offsets(%dma_start3A_181 : memref<16xi32, #tpu.memory_space<vmem>>) semaphore(%arg14 : memref<!tpu.dma_semaphore, #tpu.memory_space<semaphore_mem>>)
    %dma_wait3A_185 = arith.constant 2 : i32
    %dma_wait3A_186 = arith.constant 0 : i32
    %dma_wait3A_187 = tpu.memref_slice %arg6[%dma_wait3A_185, %dma_wait3A_186] : memref<12x16xi32, #tpu.memory_space<vmem>> -> memref<1x16xi32, #tpu.memory_space<vmem>>
    %dma_wait3A_188 = tpu.memref_squeeze %dma_wait3A_187 : memref<1x16xi32, #tpu.memory_space<vmem>> -> memref<16xi32, #tpu.memory_space<vmem>>
    %dma_wait3A_189 = arith.constant 0 : i32
    %dma_wait3A_190 = arith.constant 0 : i32
    %dma_wait3A_191 = tpu.memref_slice %arg5[%dma_wait3A_189, %dma_wait3A_190] : memref<8192x3136xf32, #tpu.memory_space<hbm>> -> memref<8192x3136xf32, #tpu.memory_space<hbm>>
    tpu.wait_indirect_dma semaphore(%arg13 : memref<!tpu.dma_semaphore, #tpu.memory_space<semaphore_mem>>) src(%arg8 : memref<16x3136xf32, #tpu.memory_space<vmem>>) dst(%dma_wait3A_191 : memref<8192x3136xf32, #tpu.memory_space<hbm>>)
    %add3A_192 = arith.constant 64 : i32
    %add3A_193 = arith.addi %mul3A_2, %add3A_192 : i32
    %dma_start3A_194 = arith.constant 0 : i32
    %dma_start3A_195 = tpu.memref_slice %arg2[%add3A_193, %dma_start3A_194] : memref<6144x3136xf32, #tpu.memory_space<hbm>> -> memref<16x3136xf32, #tpu.memory_space<hbm>>
    %dma_start3A_196 = arith.constant 0 : i32
    %dma_start3A_197 = tpu.memref_slice %arg2[%add3A_193, %dma_start3A_196] : memref<6144x3136xf32, #tpu.memory_space<hbm>> -> memref<16x3136xf32, #tpu.memory_space<hbm>>
    tpu.enqueue_dma source(%dma_start3A_197 : memref<16x3136xf32, #tpu.memory_space<hbm>>) target(%arg8 : memref<16x3136xf32, #tpu.memory_space<vmem>>) target_semaphore(%arg11 : memref<!tpu.dma_semaphore, #tpu.memory_space<semaphore_mem>>)
    %dma_wait3A_198 = arith.constant 0 : i32
    %dma_wait3A_199 = tpu.memref_slice %arg2[%add3A_193, %dma_wait3A_198] : memref<6144x3136xf32, #tpu.memory_space<hbm>> -> memref<16x3136xf32, #tpu.memory_space<hbm>>
    %dma_wait3A_200 = arith.constant 0 : i32
    %dma_wait3A_201 = tpu.memref_slice %arg2[%add3A_193, %dma_wait3A_200] : memref<6144x3136xf32, #tpu.memory_space<hbm>> -> memref<16x3136xf32, #tpu.memory_space<hbm>>
    tpu.wait_dma2 semaphore(%arg11 : memref<!tpu.dma_semaphore, #tpu.memory_space<semaphore_mem>>) src(%dma_wait3A_201 : memref<16x3136xf32, #tpu.memory_space<hbm>>) dst(%arg8 : memref<16x3136xf32, #tpu.memory_space<vmem>>)
    %dma_start3A_202 = arith.constant 4 : i32
    %dma_start3A_203 = arith.constant 0 : i32
    %dma_start3A_204 = tpu.memref_slice %arg6[%dma_start3A_202, %dma_start3A_203] : memref<12x16xi32, #tpu.memory_space<vmem>> -> memref<1x16xi32, #tpu.memory_space<vmem>>
    %dma_start3A_205 = tpu.memref_squeeze %dma_start3A_204 : memref<1x16xi32, #tpu.memory_space<vmem>> -> memref<16xi32, #tpu.memory_space<vmem>>
    %dma_start3A_206 = arith.constant 0 : i32
    %dma_start3A_207 = arith.constant 0 : i32
    %dma_start3A_208 = tpu.memref_slice %arg5[%dma_start3A_206, %dma_start3A_207] : memref<8192x3136xf32, #tpu.memory_space<hbm>> -> memref<8192x3136xf32, #tpu.memory_space<hbm>>
    tpu.enqueue_indirect_dma source(%arg8 : memref<16x3136xf32, #tpu.memory_space<vmem>>) target(%dma_start3A_208 : memref<8192x3136xf32, #tpu.memory_space<hbm>>) offsets(%dma_start3A_205 : memref<16xi32, #tpu.memory_space<vmem>>) semaphore(%arg13 : memref<!tpu.dma_semaphore, #tpu.memory_space<semaphore_mem>>)
    %dma_wait3A_209 = arith.constant 3 : i32
    %dma_wait3A_210 = arith.constant 0 : i32
    %dma_wait3A_211 = tpu.memref_slice %arg6[%dma_wait3A_209, %dma_wait3A_210] : memref<12x16xi32, #tpu.memory_space<vmem>> -> memref<1x16xi32, #tpu.memory_space<vmem>>
    %dma_wait3A_212 = tpu.memref_squeeze %dma_wait3A_211 : memref<1x16xi32, #tpu.memory_space<vmem>> -> memref<16xi32, #tpu.memory_space<vmem>>
    %dma_wait3A_213 = arith.constant 0 : i32
    %dma_wait3A_214 = arith.constant 0 : i32
    %dma_wait3A_215 = tpu.memref_slice %arg5[%dma_wait3A_213, %dma_wait3A_214] : memref<8192x3136xf32, #tpu.memory_space<hbm>> -> memref<8192x3136xf32, #tpu.memory_space<hbm>>
    tpu.wait_indirect_dma semaphore(%arg14 : memref<!tpu.dma_semaphore, #tpu.memory_space<semaphore_mem>>) src(%arg9 : memref<16x3136xf32, #tpu.memory_space<vmem>>) dst(%dma_wait3A_215 : memref<8192x3136xf32, #tpu.memory_space<hbm>>)
    %add3A_216 = arith.constant 80 : i32
    %add3A_217 = arith.addi %mul3A_2, %add3A_216 : i32
    %dma_start3A_218 = arith.constant 0 : i32
    %dma_start3A_219 = tpu.memref_slice %arg2[%add3A_217, %dma_start3A_218] : memref<6144x3136xf32, #tpu.memory_space<hbm>> -> memref<16x3136xf32, #tpu.memory_space<hbm>>
    %dma_start3A_220 = arith.constant 0 : i32
    %dma_start3A_221 = tpu.memref_slice %arg2[%add3A_217, %dma_start3A_220] : memref<6144x3136xf32, #tpu.memory_space<hbm>> -> memref<16x3136xf32, #tpu.memory_space<hbm>>
    tpu.enqueue_dma source(%dma_start3A_221 : memref<16x3136xf32, #tpu.memory_space<hbm>>) target(%arg9 : memref<16x3136xf32, #tpu.memory_space<vmem>>) target_semaphore(%arg12 : memref<!tpu.dma_semaphore, #tpu.memory_space<semaphore_mem>>)
    %dma_wait3A_222 = arith.constant 0 : i32
    %dma_wait3A_223 = tpu.memref_slice %arg2[%add3A_217, %dma_wait3A_222] : memref<6144x3136xf32, #tpu.memory_space<hbm>> -> memref<16x3136xf32, #tpu.memory_space<hbm>>
    %dma_wait3A_224 = arith.constant 0 : i32
    %dma_wait3A_225 = tpu.memref_slice %arg2[%add3A_217, %dma_wait3A_224] : memref<6144x3136xf32, #tpu.memory_space<hbm>> -> memref<16x3136xf32, #tpu.memory_space<hbm>>
    tpu.wait_dma2 semaphore(%arg12 : memref<!tpu.dma_semaphore, #tpu.memory_space<semaphore_mem>>) src(%dma_wait3A_225 : memref<16x3136xf32, #tpu.memory_space<hbm>>) dst(%arg9 : memref<16x3136xf32, #tpu.memory_space<vmem>>)
    %dma_start3A_226 = arith.constant 5 : i32
    %dma_start3A_227 = arith.constant 0 : i32
    %dma_start3A_228 = tpu.memref_slice %arg6[%dma_start3A_226, %dma_start3A_227] : memref<12x16xi32, #tpu.memory_space<vmem>> -> memref<1x16xi32, #tpu.memory_space<vmem>>
    %dma_start3A_229 = tpu.memref_squeeze %dma_start3A_228 : memref<1x16xi32, #tpu.memory_space<vmem>> -> memref<16xi32, #tpu.memory_space<vmem>>
    %dma_start3A_230 = arith.constant 0 : i32
    %dma_start3A_231 = arith.constant 0 : i32
    %dma_start3A_232 = tpu.memref_slice %arg5[%dma_start3A_230, %dma_start3A_231] : memref<8192x3136xf32, #tpu.memory_space<hbm>> -> memref<8192x3136xf32, #tpu.memory_space<hbm>>
    tpu.enqueue_indirect_dma source(%arg9 : memref<16x3136xf32, #tpu.memory_space<vmem>>) target(%dma_start3A_232 : memref<8192x3136xf32, #tpu.memory_space<hbm>>) offsets(%dma_start3A_229 : memref<16xi32, #tpu.memory_space<vmem>>) semaphore(%arg14 : memref<!tpu.dma_semaphore, #tpu.memory_space<semaphore_mem>>)
    %dma_wait3A_233 = arith.constant 4 : i32
    %dma_wait3A_234 = arith.constant 0 : i32
    %dma_wait3A_235 = tpu.memref_slice %arg6[%dma_wait3A_233, %dma_wait3A_234] : memref<12x16xi32, #tpu.memory_space<vmem>> -> memref<1x16xi32, #tpu.memory_space<vmem>>
    %dma_wait3A_236 = tpu.memref_squeeze %dma_wait3A_235 : memref<1x16xi32, #tpu.memory_space<vmem>> -> memref<16xi32, #tpu.memory_space<vmem>>
    %dma_wait3A_237 = arith.constant 0 : i32
    %dma_wait3A_238 = arith.constant 0 : i32
    %dma_wait3A_239 = tpu.memref_slice %arg5[%dma_wait3A_237, %dma_wait3A_238] : memref<8192x3136xf32, #tpu.memory_space<hbm>> -> memref<8192x3136xf32, #tpu.memory_space<hbm>>
    tpu.wait_indirect_dma semaphore(%arg13 : memref<!tpu.dma_semaphore, #tpu.memory_space<semaphore_mem>>) src(%arg8 : memref<16x3136xf32, #tpu.memory_space<vmem>>) dst(%dma_wait3A_239 : memref<8192x3136xf32, #tpu.memory_space<hbm>>)
    %add3A_240 = arith.constant 96 : i32
    %add3A_241 = arith.addi %mul3A_2, %add3A_240 : i32
    %dma_start3A_242 = arith.constant 0 : i32
    %dma_start3A_243 = tpu.memref_slice %arg2[%add3A_241, %dma_start3A_242] : memref<6144x3136xf32, #tpu.memory_space<hbm>> -> memref<16x3136xf32, #tpu.memory_space<hbm>>
    %dma_start3A_244 = arith.constant 0 : i32
    %dma_start3A_245 = tpu.memref_slice %arg2[%add3A_241, %dma_start3A_244] : memref<6144x3136xf32, #tpu.memory_space<hbm>> -> memref<16x3136xf32, #tpu.memory_space<hbm>>
    tpu.enqueue_dma source(%dma_start3A_245 : memref<16x3136xf32, #tpu.memory_space<hbm>>) target(%arg8 : memref<16x3136xf32, #tpu.memory_space<vmem>>) target_semaphore(%arg11 : memref<!tpu.dma_semaphore, #tpu.memory_space<semaphore_mem>>)
    %dma_wait3A_246 = arith.constant 0 : i32
    %dma_wait3A_247 = tpu.memref_slice %arg2[%add3A_241, %dma_wait3A_246] : memref<6144x3136xf32, #tpu.memory_space<hbm>> -> memref<16x3136xf32, #tpu.memory_space<hbm>>
    %dma_wait3A_248 = arith.constant 0 : i32
    %dma_wait3A_249 = tpu.memref_slice %arg2[%add3A_241, %dma_wait3A_248] : memref<6144x3136xf32, #tpu.memory_space<hbm>> -> memref<16x3136xf32, #tpu.memory_space<hbm>>
    tpu.wait_dma2 semaphore(%arg11 : memref<!tpu.dma_semaphore, #tpu.memory_space<semaphore_mem>>) src(%dma_wait3A_249 : memref<16x3136xf32, #tpu.memory_space<hbm>>) dst(%arg8 : memref<16x3136xf32, #tpu.memory_space<vmem>>)
    %dma_start3A_250 = arith.constant 6 : i32
    %dma_start3A_251 = arith.constant 0 : i32
    %dma_start3A_252 = tpu.memref_slice %arg6[%dma_start3A_250, %dma_start3A_251] : memref<12x16xi32, #tpu.memory_space<vmem>> -> memref<1x16xi32, #tpu.memory_space<vmem>>
    %dma_start3A_253 = tpu.memref_squeeze %dma_start3A_252 : memref<1x16xi32, #tpu.memory_space<vmem>> -> memref<16xi32, #tpu.memory_space<vmem>>
    %dma_start3A_254 = arith.constant 0 : i32
    %dma_start3A_255 = arith.constant 0 : i32
    %dma_start3A_256 = tpu.memref_slice %arg5[%dma_start3A_254, %dma_start3A_255] : memref<8192x3136xf32, #tpu.memory_space<hbm>> -> memref<8192x3136xf32, #tpu.memory_space<hbm>>
    tpu.enqueue_indirect_dma source(%arg8 : memref<16x3136xf32, #tpu.memory_space<vmem>>) target(%dma_start3A_256 : memref<8192x3136xf32, #tpu.memory_space<hbm>>) offsets(%dma_start3A_253 : memref<16xi32, #tpu.memory_space<vmem>>) semaphore(%arg13 : memref<!tpu.dma_semaphore, #tpu.memory_space<semaphore_mem>>)
    %dma_wait3A_257 = arith.constant 5 : i32
    %dma_wait3A_258 = arith.constant 0 : i32
    %dma_wait3A_259 = tpu.memref_slice %arg6[%dma_wait3A_257, %dma_wait3A_258] : memref<12x16xi32, #tpu.memory_space<vmem>> -> memref<1x16xi32, #tpu.memory_space<vmem>>
    %dma_wait3A_260 = tpu.memref_squeeze %dma_wait3A_259 : memref<1x16xi32, #tpu.memory_space<vmem>> -> memref<16xi32, #tpu.memory_space<vmem>>
    %dma_wait3A_261 = arith.constant 0 : i32
    %dma_wait3A_262 = arith.constant 0 : i32
    %dma_wait3A_263 = tpu.memref_slice %arg5[%dma_wait3A_261, %dma_wait3A_262] : memref<8192x3136xf32, #tpu.memory_space<hbm>> -> memref<8192x3136xf32, #tpu.memory_space<hbm>>
    tpu.wait_indirect_dma semaphore(%arg14 : memref<!tpu.dma_semaphore, #tpu.memory_space<semaphore_mem>>) src(%arg9 : memref<16x3136xf32, #tpu.memory_space<vmem>>) dst(%dma_wait3A_263 : memref<8192x3136xf32, #tpu.memory_space<hbm>>)
    %add3A_264 = arith.constant 112 : i32
    %add3A_265 = arith.addi %mul3A_2, %add3A_264 : i32
    %dma_start3A_266 = arith.constant 0 : i32
    %dma_start3A_267 = tpu.memref_slice %arg2[%add3A_265, %dma_start3A_266] : memref<6144x3136xf32, #tpu.memory_space<hbm>> -> memref<16x3136xf32, #tpu.memory_space<hbm>>
    %dma_start3A_268 = arith.constant 0 : i32
    %dma_start3A_269 = tpu.memref_slice %arg2[%add3A_265, %dma_start3A_268] : memref<6144x3136xf32, #tpu.memory_space<hbm>> -> memref<16x3136xf32, #tpu.memory_space<hbm>>
    tpu.enqueue_dma source(%dma_start3A_269 : memref<16x3136xf32, #tpu.memory_space<hbm>>) target(%arg9 : memref<16x3136xf32, #tpu.memory_space<vmem>>) target_semaphore(%arg12 : memref<!tpu.dma_semaphore, #tpu.memory_space<semaphore_mem>>)
    %dma_wait3A_270 = arith.constant 0 : i32
    %dma_wait3A_271 = tpu.memref_slice %arg2[%add3A_265, %dma_wait3A_270] : memref<6144x3136xf32, #tpu.memory_space<hbm>> -> memref<16x3136xf32, #tpu.memory_space<hbm>>
    %dma_wait3A_272 = arith.constant 0 : i32
    %dma_wait3A_273 = tpu.memref_slice %arg2[%add3A_265, %dma_wait3A_272] : memref<6144x3136xf32, #tpu.memory_space<hbm>> -> memref<16x3136xf32, #tpu.memory_space<hbm>>
    tpu.wait_dma2 semaphore(%arg12 : memref<!tpu.dma_semaphore, #tpu.memory_space<semaphore_mem>>) src(%dma_wait3A_273 : memref<16x3136xf32, #tpu.memory_space<hbm>>) dst(%arg9 : memref<16x3136xf32, #tpu.memory_space<vmem>>)
    %dma_start3A_274 = arith.constant 7 : i32
    %dma_start3A_275 = arith.constant 0 : i32
    %dma_start3A_276 = tpu.memref_slice %arg6[%dma_start3A_274, %dma_start3A_275] : memref<12x16xi32, #tpu.memory_space<vmem>> -> memref<1x16xi32, #tpu.memory_space<vmem>>
    %dma_start3A_277 = tpu.memref_squeeze %dma_start3A_276 : memref<1x16xi32, #tpu.memory_space<vmem>> -> memref<16xi32, #tpu.memory_space<vmem>>
    %dma_start3A_278 = arith.constant 0 : i32
    %dma_start3A_279 = arith.constant 0 : i32
    %dma_start3A_280 = tpu.memref_slice %arg5[%dma_start3A_278, %dma_start3A_279] : memref<8192x3136xf32, #tpu.memory_space<hbm>> -> memref<8192x3136xf32, #tpu.memory_space<hbm>>
    tpu.enqueue_indirect_dma source(%arg9 : memref<16x3136xf32, #tpu.memory_space<vmem>>) target(%dma_start3A_280 : memref<8192x3136xf32, #tpu.memory_space<hbm>>) offsets(%dma_start3A_277 : memref<16xi32, #tpu.memory_space<vmem>>) semaphore(%arg14 : memref<!tpu.dma_semaphore, #tpu.memory_space<semaphore_mem>>)
    %dma_wait3A_281 = arith.constant 6 : i32
    %dma_wait3A_282 = arith.constant 0 : i32
    %dma_wait3A_283 = tpu.memref_slice %arg6[%dma_wait3A_281, %dma_wait3A_282] : memref<12x16xi32, #tpu.memory_space<vmem>> -> memref<1x16xi32, #tpu.memory_space<vmem>>
    %dma_wait3A_284 = tpu.memref_squeeze %dma_wait3A_283 : memref<1x16xi32, #tpu.memory_space<vmem>> -> memref<16xi32, #tpu.memory_space<vmem>>
    %dma_wait3A_285 = arith.constant 0 : i32
    %dma_wait3A_286 = arith.constant 0 : i32
    %dma_wait3A_287 = tpu.memref_slice %arg5[%dma_wait3A_285, %dma_wait3A_286] : memref<8192x3136xf32, #tpu.memory_space<hbm>> -> memref<8192x3136xf32, #tpu.memory_space<hbm>>
    tpu.wait_indirect_dma semaphore(%arg13 : memref<!tpu.dma_semaphore, #tpu.memory_space<semaphore_mem>>) src(%arg8 : memref<16x3136xf32, #tpu.memory_space<vmem>>) dst(%dma_wait3A_287 : memref<8192x3136xf32, #tpu.memory_space<hbm>>)
    %add3A_288 = arith.constant 128 : i32
    %add3A_289 = arith.addi %mul3A_2, %add3A_288 : i32
    %dma_start3A_290 = arith.constant 0 : i32
    %dma_start3A_291 = tpu.memref_slice %arg2[%add3A_289, %dma_start3A_290] : memref<6144x3136xf32, #tpu.memory_space<hbm>> -> memref<16x3136xf32, #tpu.memory_space<hbm>>
    %dma_start3A_292 = arith.constant 0 : i32
    %dma_start3A_293 = tpu.memref_slice %arg2[%add3A_289, %dma_start3A_292] : memref<6144x3136xf32, #tpu.memory_space<hbm>> -> memref<16x3136xf32, #tpu.memory_space<hbm>>
    tpu.enqueue_dma source(%dma_start3A_293 : memref<16x3136xf32, #tpu.memory_space<hbm>>) target(%arg8 : memref<16x3136xf32, #tpu.memory_space<vmem>>) target_semaphore(%arg11 : memref<!tpu.dma_semaphore, #tpu.memory_space<semaphore_mem>>)
    %dma_wait3A_294 = arith.constant 0 : i32
    %dma_wait3A_295 = tpu.memref_slice %arg2[%add3A_289, %dma_wait3A_294] : memref<6144x3136xf32, #tpu.memory_space<hbm>> -> memref<16x3136xf32, #tpu.memory_space<hbm>>
    %dma_wait3A_296 = arith.constant 0 : i32
    %dma_wait3A_297 = tpu.memref_slice %arg2[%add3A_289, %dma_wait3A_296] : memref<6144x3136xf32, #tpu.memory_space<hbm>> -> memref<16x3136xf32, #tpu.memory_space<hbm>>
    tpu.wait_dma2 semaphore(%arg11 : memref<!tpu.dma_semaphore, #tpu.memory_space<semaphore_mem>>) src(%dma_wait3A_297 : memref<16x3136xf32, #tpu.memory_space<hbm>>) dst(%arg8 : memref<16x3136xf32, #tpu.memory_space<vmem>>)
    %dma_start3A_298 = arith.constant 8 : i32
    %dma_start3A_299 = arith.constant 0 : i32
    %dma_start3A_300 = tpu.memref_slice %arg6[%dma_start3A_298, %dma_start3A_299] : memref<12x16xi32, #tpu.memory_space<vmem>> -> memref<1x16xi32, #tpu.memory_space<vmem>>
    %dma_start3A_301 = tpu.memref_squeeze %dma_start3A_300 : memref<1x16xi32, #tpu.memory_space<vmem>> -> memref<16xi32, #tpu.memory_space<vmem>>
    %dma_start3A_302 = arith.constant 0 : i32
    %dma_start3A_303 = arith.constant 0 : i32
    %dma_start3A_304 = tpu.memref_slice %arg5[%dma_start3A_302, %dma_start3A_303] : memref<8192x3136xf32, #tpu.memory_space<hbm>> -> memref<8192x3136xf32, #tpu.memory_space<hbm>>
    tpu.enqueue_indirect_dma source(%arg8 : memref<16x3136xf32, #tpu.memory_space<vmem>>) target(%dma_start3A_304 : memref<8192x3136xf32, #tpu.memory_space<hbm>>) offsets(%dma_start3A_301 : memref<16xi32, #tpu.memory_space<vmem>>) semaphore(%arg13 : memref<!tpu.dma_semaphore, #tpu.memory_space<semaphore_mem>>)
    %dma_wait3A_305 = arith.constant 7 : i32
    %dma_wait3A_306 = arith.constant 0 : i32
    %dma_wait3A_307 = tpu.memref_slice %arg6[%dma_wait3A_305, %dma_wait3A_306] : memref<12x16xi32, #tpu.memory_space<vmem>> -> memref<1x16xi32, #tpu.memory_space<vmem>>
    %dma_wait3A_308 = tpu.memref_squeeze %dma_wait3A_307 : memref<1x16xi32, #tpu.memory_space<vmem>> -> memref<16xi32, #tpu.memory_space<vmem>>
    %dma_wait3A_309 = arith.constant 0 : i32
    %dma_wait3A_310 = arith.constant 0 : i32
    %dma_wait3A_311 = tpu.memref_slice %arg5[%dma_wait3A_309, %dma_wait3A_310] : memref<8192x3136xf32, #tpu.memory_space<hbm>> -> memref<8192x3136xf32, #tpu.memory_space<hbm>>
    tpu.wait_indirect_dma semaphore(%arg14 : memref<!tpu.dma_semaphore, #tpu.memory_space<semaphore_mem>>) src(%arg9 : memref<16x3136xf32, #tpu.memory_space<vmem>>) dst(%dma_wait3A_311 : memref<8192x3136xf32, #tpu.memory_space<hbm>>)
    %add3A_312 = arith.constant 144 : i32
    %add3A_313 = arith.addi %mul3A_2, %add3A_312 : i32
    %dma_start3A_314 = arith.constant 0 : i32
    %dma_start3A_315 = tpu.memref_slice %arg2[%add3A_313, %dma_start3A_314] : memref<6144x3136xf32, #tpu.memory_space<hbm>> -> memref<16x3136xf32, #tpu.memory_space<hbm>>
    %dma_start3A_316 = arith.constant 0 : i32
    %dma_start3A_317 = tpu.memref_slice %arg2[%add3A_313, %dma_start3A_316] : memref<6144x3136xf32, #tpu.memory_space<hbm>> -> memref<16x3136xf32, #tpu.memory_space<hbm>>
    tpu.enqueue_dma source(%dma_start3A_317 : memref<16x3136xf32, #tpu.memory_space<hbm>>) target(%arg9 : memref<16x3136xf32, #tpu.memory_space<vmem>>) target_semaphore(%arg12 : memref<!tpu.dma_semaphore, #tpu.memory_space<semaphore_mem>>)
    %dma_wait3A_318 = arith.constant 0 : i32
    %dma_wait3A_319 = tpu.memref_slice %arg2[%add3A_313, %dma_wait3A_318] : memref<6144x3136xf32, #tpu.memory_space<hbm>> -> memref<16x3136xf32, #tpu.memory_space<hbm>>
    %dma_wait3A_320 = arith.constant 0 : i32
    %dma_wait3A_321 = tpu.memref_slice %arg2[%add3A_313, %dma_wait3A_320] : memref<6144x3136xf32, #tpu.memory_space<hbm>> -> memref<16x3136xf32, #tpu.memory_space<hbm>>
    tpu.wait_dma2 semaphore(%arg12 : memref<!tpu.dma_semaphore, #tpu.memory_space<semaphore_mem>>) src(%dma_wait3A_321 : memref<16x3136xf32, #tpu.memory_space<hbm>>) dst(%arg9 : memref<16x3136xf32, #tpu.memory_space<vmem>>)
    %dma_start3A_322 = arith.constant 9 : i32
    %dma_start3A_323 = arith.constant 0 : i32
    %dma_start3A_324 = tpu.memref_slice %arg6[%dma_start3A_322, %dma_start3A_323] : memref<12x16xi32, #tpu.memory_space<vmem>> -> memref<1x16xi32, #tpu.memory_space<vmem>>
    %dma_start3A_325 = tpu.memref_squeeze %dma_start3A_324 : memref<1x16xi32, #tpu.memory_space<vmem>> -> memref<16xi32, #tpu.memory_space<vmem>>
    %dma_start3A_326 = arith.constant 0 : i32
    %dma_start3A_327 = arith.constant 0 : i32
    %dma_start3A_328 = tpu.memref_slice %arg5[%dma_start3A_326, %dma_start3A_327] : memref<8192x3136xf32, #tpu.memory_space<hbm>> -> memref<8192x3136xf32, #tpu.memory_space<hbm>>
    tpu.enqueue_indirect_dma source(%arg9 : memref<16x3136xf32, #tpu.memory_space<vmem>>) target(%dma_start3A_328 : memref<8192x3136xf32, #tpu.memory_space<hbm>>) offsets(%dma_start3A_325 : memref<16xi32, #tpu.memory_space<vmem>>) semaphore(%arg14 : memref<!tpu.dma_semaphore, #tpu.memory_space<semaphore_mem>>)
    %dma_wait3A_329 = arith.constant 8 : i32
    %dma_wait3A_330 = arith.constant 0 : i32
    %dma_wait3A_331 = tpu.memref_slice %arg6[%dma_wait3A_329, %dma_wait3A_330] : memref<12x16xi32, #tpu.memory_space<vmem>> -> memref<1x16xi32, #tpu.memory_space<vmem>>
    %dma_wait3A_332 = tpu.memref_squeeze %dma_wait3A_331 : memref<1x16xi32, #tpu.memory_space<vmem>> -> memref<16xi32, #tpu.memory_space<vmem>>
    %dma_wait3A_333 = arith.constant 0 : i32
    %dma_wait3A_334 = arith.constant 0 : i32
    %dma_wait3A_335 = tpu.memref_slice %arg5[%dma_wait3A_333, %dma_wait3A_334] : memref<8192x3136xf32, #tpu.memory_space<hbm>> -> memref<8192x3136xf32, #tpu.memory_space<hbm>>
    tpu.wait_indirect_dma semaphore(%arg13 : memref<!tpu.dma_semaphore, #tpu.memory_space<semaphore_mem>>) src(%arg8 : memref<16x3136xf32, #tpu.memory_space<vmem>>) dst(%dma_wait3A_335 : memref<8192x3136xf32, #tpu.memory_space<hbm>>)
    %add3A_336 = arith.constant 160 : i32
    %add3A_337 = arith.addi %mul3A_2, %add3A_336 : i32
    %dma_start3A_338 = arith.constant 0 : i32
    %dma_start3A_339 = tpu.memref_slice %arg2[%add3A_337, %dma_start3A_338] : memref<6144x3136xf32, #tpu.memory_space<hbm>> -> memref<16x3136xf32, #tpu.memory_space<hbm>>
    %dma_start3A_340 = arith.constant 0 : i32
    %dma_start3A_341 = tpu.memref_slice %arg2[%add3A_337, %dma_start3A_340] : memref<6144x3136xf32, #tpu.memory_space<hbm>> -> memref<16x3136xf32, #tpu.memory_space<hbm>>
    tpu.enqueue_dma source(%dma_start3A_341 : memref<16x3136xf32, #tpu.memory_space<hbm>>) target(%arg8 : memref<16x3136xf32, #tpu.memory_space<vmem>>) target_semaphore(%arg11 : memref<!tpu.dma_semaphore, #tpu.memory_space<semaphore_mem>>)
    %dma_wait3A_342 = arith.constant 0 : i32
    %dma_wait3A_343 = tpu.memref_slice %arg2[%add3A_337, %dma_wait3A_342] : memref<6144x3136xf32, #tpu.memory_space<hbm>> -> memref<16x3136xf32, #tpu.memory_space<hbm>>
    %dma_wait3A_344 = arith.constant 0 : i32
    %dma_wait3A_345 = tpu.memref_slice %arg2[%add3A_337, %dma_wait3A_344] : memref<6144x3136xf32, #tpu.memory_space<hbm>> -> memref<16x3136xf32, #tpu.memory_space<hbm>>
    tpu.wait_dma2 semaphore(%arg11 : memref<!tpu.dma_semaphore, #tpu.memory_space<semaphore_mem>>) src(%dma_wait3A_345 : memref<16x3136xf32, #tpu.memory_space<hbm>>) dst(%arg8 : memref<16x3136xf32, #tpu.memory_space<vmem>>)
    %dma_start3A_346 = arith.constant 10 : i32
    %dma_start3A_347 = arith.constant 0 : i32
    %dma_start3A_348 = tpu.memref_slice %arg6[%dma_start3A_346, %dma_start3A_347] : memref<12x16xi32, #tpu.memory_space<vmem>> -> memref<1x16xi32, #tpu.memory_space<vmem>>
    %dma_start3A_349 = tpu.memref_squeeze %dma_start3A_348 : memref<1x16xi32, #tpu.memory_space<vmem>> -> memref<16xi32, #tpu.memory_space<vmem>>
    %dma_start3A_350 = arith.constant 0 : i32
    %dma_start3A_351 = arith.constant 0 : i32
    %dma_start3A_352 = tpu.memref_slice %arg5[%dma_start3A_350, %dma_start3A_351] : memref<8192x3136xf32, #tpu.memory_space<hbm>> -> memref<8192x3136xf32, #tpu.memory_space<hbm>>
    tpu.enqueue_indirect_dma source(%arg8 : memref<16x3136xf32, #tpu.memory_space<vmem>>) target(%dma_start3A_352 : memref<8192x3136xf32, #tpu.memory_space<hbm>>) offsets(%dma_start3A_349 : memref<16xi32, #tpu.memory_space<vmem>>) semaphore(%arg13 : memref<!tpu.dma_semaphore, #tpu.memory_space<semaphore_mem>>)
    %dma_wait3A_353 = arith.constant 9 : i32
    %dma_wait3A_354 = arith.constant 0 : i32
    %dma_wait3A_355 = tpu.memref_slice %arg6[%dma_wait3A_353, %dma_wait3A_354] : memref<12x16xi32, #tpu.memory_space<vmem>> -> memref<1x16xi32, #tpu.memory_space<vmem>>
    %dma_wait3A_356 = tpu.memref_squeeze %dma_wait3A_355 : memref<1x16xi32, #tpu.memory_space<vmem>> -> memref<16xi32, #tpu.memory_space<vmem>>
    %dma_wait3A_357 = arith.constant 0 : i32
    %dma_wait3A_358 = arith.constant 0 : i32
    %dma_wait3A_359 = tpu.memref_slice %arg5[%dma_wait3A_357, %dma_wait3A_358] : memref<8192x3136xf32, #tpu.memory_space<hbm>> -> memref<8192x3136xf32, #tpu.memory_space<hbm>>
    tpu.wait_indirect_dma semaphore(%arg14 : memref<!tpu.dma_semaphore, #tpu.memory_space<semaphore_mem>>) src(%arg9 : memref<16x3136xf32, #tpu.memory_space<vmem>>) dst(%dma_wait3A_359 : memref<8192x3136xf32, #tpu.memory_space<hbm>>)
    %add3A_360 = arith.constant 176 : i32
    %add3A_361 = arith.addi %mul3A_2, %add3A_360 : i32
    %dma_start3A_362 = arith.constant 0 : i32
    %dma_start3A_363 = tpu.memref_slice %arg2[%add3A_361, %dma_start3A_362] : memref<6144x3136xf32, #tpu.memory_space<hbm>> -> memref<16x3136xf32, #tpu.memory_space<hbm>>
    %dma_start3A_364 = arith.constant 0 : i32
    %dma_start3A_365 = tpu.memref_slice %arg2[%add3A_361, %dma_start3A_364] : memref<6144x3136xf32, #tpu.memory_space<hbm>> -> memref<16x3136xf32, #tpu.memory_space<hbm>>
    tpu.enqueue_dma source(%dma_start3A_365 : memref<16x3136xf32, #tpu.memory_space<hbm>>) target(%arg9 : memref<16x3136xf32, #tpu.memory_space<vmem>>) target_semaphore(%arg12 : memref<!tpu.dma_semaphore, #tpu.memory_space<semaphore_mem>>)
    %dma_wait3A_366 = arith.constant 0 : i32
    %dma_wait3A_367 = tpu.memref_slice %arg2[%add3A_361, %dma_wait3A_366] : memref<6144x3136xf32, #tpu.memory_space<hbm>> -> memref<16x3136xf32, #tpu.memory_space<hbm>>
    %dma_wait3A_368 = arith.constant 0 : i32
    %dma_wait3A_369 = tpu.memref_slice %arg2[%add3A_361, %dma_wait3A_368] : memref<6144x3136xf32, #tpu.memory_space<hbm>> -> memref<16x3136xf32, #tpu.memory_space<hbm>>
    tpu.wait_dma2 semaphore(%arg12 : memref<!tpu.dma_semaphore, #tpu.memory_space<semaphore_mem>>) src(%dma_wait3A_369 : memref<16x3136xf32, #tpu.memory_space<hbm>>) dst(%arg9 : memref<16x3136xf32, #tpu.memory_space<vmem>>)
    %dma_start3A_370 = arith.constant 11 : i32
    %dma_start3A_371 = arith.constant 0 : i32
    %dma_start3A_372 = tpu.memref_slice %arg6[%dma_start3A_370, %dma_start3A_371] : memref<12x16xi32, #tpu.memory_space<vmem>> -> memref<1x16xi32, #tpu.memory_space<vmem>>
    %dma_start3A_373 = tpu.memref_squeeze %dma_start3A_372 : memref<1x16xi32, #tpu.memory_space<vmem>> -> memref<16xi32, #tpu.memory_space<vmem>>
    %dma_start3A_374 = arith.constant 0 : i32
    %dma_start3A_375 = arith.constant 0 : i32
    %dma_start3A_376 = tpu.memref_slice %arg5[%dma_start3A_374, %dma_start3A_375] : memref<8192x3136xf32, #tpu.memory_space<hbm>> -> memref<8192x3136xf32, #tpu.memory_space<hbm>>
    tpu.enqueue_indirect_dma source(%arg9 : memref<16x3136xf32, #tpu.memory_space<vmem>>) target(%dma_start3A_376 : memref<8192x3136xf32, #tpu.memory_space<hbm>>) offsets(%dma_start3A_373 : memref<16xi32, #tpu.memory_space<vmem>>) semaphore(%arg14 : memref<!tpu.dma_semaphore, #tpu.memory_space<semaphore_mem>>)
    %dma_wait3A_377 = arith.constant 10 : i32
    %dma_wait3A_378 = arith.constant 0 : i32
    %dma_wait3A_379 = tpu.memref_slice %arg6[%dma_wait3A_377, %dma_wait3A_378] : memref<12x16xi32, #tpu.memory_space<vmem>> -> memref<1x16xi32, #tpu.memory_space<vmem>>
    %dma_wait3A_380 = tpu.memref_squeeze %dma_wait3A_379 : memref<1x16xi32, #tpu.memory_space<vmem>> -> memref<16xi32, #tpu.memory_space<vmem>>
    %dma_wait3A_381 = arith.constant 0 : i32
    %dma_wait3A_382 = arith.constant 0 : i32
    %dma_wait3A_383 = tpu.memref_slice %arg5[%dma_wait3A_381, %dma_wait3A_382] : memref<8192x3136xf32, #tpu.memory_space<hbm>> -> memref<8192x3136xf32, #tpu.memory_space<hbm>>
    tpu.wait_indirect_dma semaphore(%arg13 : memref<!tpu.dma_semaphore, #tpu.memory_space<semaphore_mem>>) src(%arg8 : memref<16x3136xf32, #tpu.memory_space<vmem>>) dst(%dma_wait3A_383 : memref<8192x3136xf32, #tpu.memory_space<hbm>>)
    %dma_wait3A_384 = arith.constant 11 : i32
    %dma_wait3A_385 = arith.constant 0 : i32
    %dma_wait3A_386 = tpu.memref_slice %arg6[%dma_wait3A_384, %dma_wait3A_385] : memref<12x16xi32, #tpu.memory_space<vmem>> -> memref<1x16xi32, #tpu.memory_space<vmem>>
    %dma_wait3A_387 = tpu.memref_squeeze %dma_wait3A_386 : memref<1x16xi32, #tpu.memory_space<vmem>> -> memref<16xi32, #tpu.memory_space<vmem>>
    %dma_wait3A_388 = arith.constant 0 : i32
    %dma_wait3A_389 = arith.constant 0 : i32
    %dma_wait3A_390 = tpu.memref_slice %arg5[%dma_wait3A_388, %dma_wait3A_389] : memref<8192x3136xf32, #tpu.memory_space<hbm>> -> memref<8192x3136xf32, #tpu.memory_space<hbm>>
    tpu.wait_indirect_dma semaphore(%arg14 : memref<!tpu.dma_semaphore, #tpu.memory_space<semaphore_mem>>) src(%arg9 : memref<16x3136xf32, #tpu.memory_space<vmem>>) dst(%dma_wait3A_390 : memref<8192x3136xf32, #tpu.memory_space<hbm>>)
    %dma_wait3A_391 = arith.constant 0 : i32
    %dma_wait3A_392 = arith.constant 0 : i32
    %dma_wait3A_393 = tpu.memref_slice %arg7[%dma_wait3A_391, %dma_wait3A_392] : memref<8x8xi32, #tpu.memory_space<vmem>> -> memref<1x8xi32, #tpu.memory_space<vmem>>
    %dma_wait3A_394 = tpu.memref_squeeze %dma_wait3A_393 : memref<1x8xi32, #tpu.memory_space<vmem>> -> memref<8xi32, #tpu.memory_space<vmem>>
    %dma_wait3A_395 = arith.constant 0 : i32
    %dma_wait3A_396 = arith.constant 0 : i32
    %dma_wait3A_397 = tpu.memref_slice %arg5[%dma_wait3A_395, %dma_wait3A_396] : memref<8192x3136xf32, #tpu.memory_space<hbm>> -> memref<8192x3136xf32, #tpu.memory_space<hbm>>
    tpu.wait_indirect_dma semaphore(%arg15 : memref<!tpu.dma_semaphore, #tpu.memory_space<semaphore_mem>>) src(%arg10 : memref<8x3136xf32, #tpu.memory_space<vmem>>) dst(%dma_wait3A_397 : memref<8192x3136xf32, #tpu.memory_space<hbm>>)
    %dma_wait3A_398 = arith.constant 1 : i32
    %dma_wait3A_399 = arith.constant 0 : i32
    %dma_wait3A_400 = tpu.memref_slice %arg7[%dma_wait3A_398, %dma_wait3A_399] : memref<8x8xi32, #tpu.memory_space<vmem>> -> memref<1x8xi32, #tpu.memory_space<vmem>>
    %dma_wait3A_401 = tpu.memref_squeeze %dma_wait3A_400 : memref<1x8xi32, #tpu.memory_space<vmem>> -> memref<8xi32, #tpu.memory_space<vmem>>
    %dma_wait3A_402 = arith.constant 0 : i32
    %dma_wait3A_403 = arith.constant 0 : i32
    %dma_wait3A_404 = tpu.memref_slice %arg5[%dma_wait3A_402, %dma_wait3A_403] : memref<8192x3136xf32, #tpu.memory_space<hbm>> -> memref<8192x3136xf32, #tpu.memory_space<hbm>>
    tpu.wait_indirect_dma semaphore(%arg15 : memref<!tpu.dma_semaphore, #tpu.memory_space<semaphore_mem>>) src(%arg10 : memref<8x3136xf32, #tpu.memory_space<vmem>>) dst(%dma_wait3A_404 : memref<8192x3136xf32, #tpu.memory_space<hbm>>)
    %dma_wait3A_405 = arith.constant 2 : i32
    %dma_wait3A_406 = arith.constant 0 : i32
    %dma_wait3A_407 = tpu.memref_slice %arg7[%dma_wait3A_405, %dma_wait3A_406] : memref<8x8xi32, #tpu.memory_space<vmem>> -> memref<1x8xi32, #tpu.memory_space<vmem>>
    %dma_wait3A_408 = tpu.memref_squeeze %dma_wait3A_407 : memref<1x8xi32, #tpu.memory_space<vmem>> -> memref<8xi32, #tpu.memory_space<vmem>>
    %dma_wait3A_409 = arith.constant 0 : i32
    %dma_wait3A_410 = arith.constant 0 : i32
    %dma_wait3A_411 = tpu.memref_slice %arg5[%dma_wait3A_409, %dma_wait3A_410] : memref<8192x3136xf32, #tpu.memory_space<hbm>> -> memref<8192x3136xf32, #tpu.memory_space<hbm>>
    tpu.wait_indirect_dma semaphore(%arg15 : memref<!tpu.dma_semaphore, #tpu.memory_space<semaphore_mem>>) src(%arg10 : memref<8x3136xf32, #tpu.memory_space<vmem>>) dst(%dma_wait3A_411 : memref<8192x3136xf32, #tpu.memory_space<hbm>>)
    %dma_wait3A_412 = arith.constant 3 : i32
    %dma_wait3A_413 = arith.constant 0 : i32
    %dma_wait3A_414 = tpu.memref_slice %arg7[%dma_wait3A_412, %dma_wait3A_413] : memref<8x8xi32, #tpu.memory_space<vmem>> -> memref<1x8xi32, #tpu.memory_space<vmem>>
    %dma_wait3A_415 = tpu.memref_squeeze %dma_wait3A_414 : memref<1x8xi32, #tpu.memory_space<vmem>> -> memref<8xi32, #tpu.memory_space<vmem>>
    %dma_wait3A_416 = arith.constant 0 : i32
    %dma_wait3A_417 = arith.constant 0 : i32
    %dma_wait3A_418 = tpu.memref_slice %arg5[%dma_wait3A_416, %dma_wait3A_417] : memref<8192x3136xf32, #tpu.memory_space<hbm>> -> memref<8192x3136xf32, #tpu.memory_space<hbm>>
    tpu.wait_indirect_dma semaphore(%arg15 : memref<!tpu.dma_semaphore, #tpu.memory_space<semaphore_mem>>) src(%arg10 : memref<8x3136xf32, #tpu.memory_space<vmem>>) dst(%dma_wait3A_418 : memref<8192x3136xf32, #tpu.memory_space<hbm>>)
    %dma_wait3A_419 = arith.constant 4 : i32
    %dma_wait3A_420 = arith.constant 0 : i32
    %dma_wait3A_421 = tpu.memref_slice %arg7[%dma_wait3A_419, %dma_wait3A_420] : memref<8x8xi32, #tpu.memory_space<vmem>> -> memref<1x8xi32, #tpu.memory_space<vmem>>
    %dma_wait3A_422 = tpu.memref_squeeze %dma_wait3A_421 : memref<1x8xi32, #tpu.memory_space<vmem>> -> memref<8xi32, #tpu.memory_space<vmem>>
    %dma_wait3A_423 = arith.constant 0 : i32
    %dma_wait3A_424 = arith.constant 0 : i32
    %dma_wait3A_425 = tpu.memref_slice %arg5[%dma_wait3A_423, %dma_wait3A_424] : memref<8192x3136xf32, #tpu.memory_space<hbm>> -> memref<8192x3136xf32, #tpu.memory_space<hbm>>
    tpu.wait_indirect_dma semaphore(%arg15 : memref<!tpu.dma_semaphore, #tpu.memory_space<semaphore_mem>>) src(%arg10 : memref<8x3136xf32, #tpu.memory_space<vmem>>) dst(%dma_wait3A_425 : memref<8192x3136xf32, #tpu.memory_space<hbm>>)
    %dma_wait3A_426 = arith.constant 5 : i32
    %dma_wait3A_427 = arith.constant 0 : i32
    %dma_wait3A_428 = tpu.memref_slice %arg7[%dma_wait3A_426, %dma_wait3A_427] : memref<8x8xi32, #tpu.memory_space<vmem>> -> memref<1x8xi32, #tpu.memory_space<vmem>>
    %dma_wait3A_429 = tpu.memref_squeeze %dma_wait3A_428 : memref<1x8xi32, #tpu.memory_space<vmem>> -> memref<8xi32, #tpu.memory_space<vmem>>
    %dma_wait3A_430 = arith.constant 0 : i32
    %dma_wait3A_431 = arith.constant 0 : i32
    %dma_wait3A_432 = tpu.memref_slice %arg5[%dma_wait3A_430, %dma_wait3A_431] : memref<8192x3136xf32, #tpu.memory_space<hbm>> -> memref<8192x3136xf32, #tpu.memory_space<hbm>>
    tpu.wait_indirect_dma semaphore(%arg15 : memref<!tpu.dma_semaphore, #tpu.memory_space<semaphore_mem>>) src(%arg10 : memref<8x3136xf32, #tpu.memory_space<vmem>>) dst(%dma_wait3A_432 : memref<8192x3136xf32, #tpu.memory_space<hbm>>)
    %dma_wait3A_433 = arith.constant 6 : i32
    %dma_wait3A_434 = arith.constant 0 : i32
    %dma_wait3A_435 = tpu.memref_slice %arg7[%dma_wait3A_433, %dma_wait3A_434] : memref<8x8xi32, #tpu.memory_space<vmem>> -> memref<1x8xi32, #tpu.memory_space<vmem>>
    %dma_wait3A_436 = tpu.memref_squeeze %dma_wait3A_435 : memref<1x8xi32, #tpu.memory_space<vmem>> -> memref<8xi32, #tpu.memory_space<vmem>>
    %dma_wait3A_437 = arith.constant 0 : i32
    %dma_wait3A_438 = arith.constant 0 : i32
    %dma_wait3A_439 = tpu.memref_slice %arg5[%dma_wait3A_437, %dma_wait3A_438] : memref<8192x3136xf32, #tpu.memory_space<hbm>> -> memref<8192x3136xf32, #tpu.memory_space<hbm>>
    tpu.wait_indirect_dma semaphore(%arg15 : memref<!tpu.dma_semaphore, #tpu.memory_space<semaphore_mem>>) src(%arg10 : memref<8x3136xf32, #tpu.memory_space<vmem>>) dst(%dma_wait3A_439 : memref<8192x3136xf32, #tpu.memory_space<hbm>>)
    %dma_wait3A_440 = arith.constant 7 : i32
    %dma_wait3A_441 = arith.constant 0 : i32
    %dma_wait3A_442 = tpu.memref_slice %arg7[%dma_wait3A_440, %dma_wait3A_441] : memref<8x8xi32, #tpu.memory_space<vmem>> -> memref<1x8xi32, #tpu.memory_space<vmem>>
    %dma_wait3A_443 = tpu.memref_squeeze %dma_wait3A_442 : memref<1x8xi32, #tpu.memory_space<vmem>> -> memref<8xi32, #tpu.memory_space<vmem>>
    %dma_wait3A_444 = arith.constant 0 : i32
    %dma_wait3A_445 = arith.constant 0 : i32
    %dma_wait3A_446 = tpu.memref_slice %arg5[%dma_wait3A_444, %dma_wait3A_445] : memref<8192x3136xf32, #tpu.memory_space<hbm>> -> memref<8192x3136xf32, #tpu.memory_space<hbm>>
    tpu.wait_indirect_dma semaphore(%arg15 : memref<!tpu.dma_semaphore, #tpu.memory_space<semaphore_mem>>) src(%arg10 : memref<8x3136xf32, #tpu.memory_space<vmem>>) dst(%dma_wait3A_446 : memref<8192x3136xf32, #tpu.memory_space<hbm>>)
    return
  }
}

</mosaic_0001>

<sc_bundles>
// kernel: kernel.3.cloned.1.call-start
scs
__scs_entry_jumppad:
0x0: {  	(pc) =	sbr.rel $0x88, $3  }
0x1: {  	(tag) =	ssettag $0x0;
	lr =	simm.s32 $0x1  }
0x2: {  	[smem:$0x3F9F] =	sst lr;
	_ =	strace $0xD0000000  }
0x3: {  	_ = 	snop  }
0x4: {  	_ = 	snop  }
0x5: {  	_ = 	snop  }
0x6: {  	_ = 	snop  }
0x7: {  	_ = 	snop  }
__scs_overlays_trampoline_lowered:
0x8: {  	[smem:$0x3FAE] =	sst s0  }
0x9: {  	[smem:$0x3FAF] =	sst s1  }
0xa: {  	[smem:$0x3FB0] =	sst s2  }
0xb: {  	[smem:$0x3FB1] =	sst s3  }
0xc: {  	[smem:$0x3FB2] =	sst s4  }
0xd: {  	[smem:$0x3FB3] =	sst s5  }
0xe: {  	[smem:$0x3FB4] =	sst s6  }
0xf: {  	[smem:$0x3FB5] =	sst s7  }
0x10: {  	[smem:$0x3FB6] =	sst s8  }
0x11: {  	[smem:$0x3FB7] =	sst s9;
	s0 =	simm.s32 @!p0 $0x0  }
0x12: {  	s1 =	sld [smem:$0x3F9D];
	s0 =	simm.s32 @p0 $0x1  }
0x13: {  	[smem:$0x3FB8] =	sst s0;
	s0 =	simm.s32 @!p1 $0x0  }
0x14: {  	s2 =	sld [smem:$0x3F9C];
	s0 =	simm.s32 @p1 $0x1  }
0x15: {  	[smem:$0x3FB9] =	sst s0;
	s0 =	simm.s32 @!p2 $0x0  }
0x16: {  	s3 =	sld [smem:$0x3FDB];
	s0 =	simm.s32 @p2 $0x1  }
0x17: {  	s4 =	simm.s32 $0x1BF5;
	[smem:$0x3FBB] =	sst s0  }
0x18: {  	s0 =	sld [smem:$0x3F9E];
	_ =	swait.ge [sflag:s4], $0x0  }
0x19: {  	s7 =	sld [smem:$0x3F9F]  }
0x1a: {  	s8 =	sadd.s32 $0xFFFFE003, lr  }
0x1b: {  	s9 =	sadd.s32 $0xFFFFFEF7, lr;
	s5 =	simm.s32 $0xFFFFFFFF;
	p2 =	slt.u32 s8, $0xFFFFF086  }
0x1c: {  	p1 =	slt.u32 s9, $0xF7A;
	s5 =	simm.s32 @!p2 $0x0  }
0x1d: {  	s5 =	simm.s32 @p1 $0x1;
	p0 =	seq.s32 s7, s2  }
0x1e: {  	s7 =	smul.u32 @!p0 $0xF7A, s2;
	p2 =	seq.s32 @!p0 s5, $0x0  }
0x1f: {  	s9 =	smul.u32 $0xF7A, s1;
	s8 =	simm.s32 @!p0 $0x1BF5;
	p2 =	por !p2, p0  }
0x20: {  	[sflag:s8] =	ssyncset.s32 @!p0 $0xFFFFF086;
	s6 =	sadd.s32 @!p0 s3, s7;
	s7 =	simm.s32 @!p0 $0x108  }
0x21: {  	s3 =	sadd.s32 s3, s9;
	s6 =	sadd.s32 @!p0 $0x88, s6;
	s7 =	simm.s32 @p2 $0x1082  }
0x22: {  	[simem:s7], [sflag:s8] =	dma.local @!p0 [hbm:s6], $0xF7A  }
0x23: {  	s9 =	sor.u32 $0xD0000000, s2;
	s6 =	simm.s32 $0x108;
	_ =	swait.ge @!p0 [sflag:s8], $0x0  }
0x24: {  	s3 =	sadd.s32 $0x88, s3;
	s6 =	simm.s32 @!p1 $0x1082;
	[sflag:s4] =	ssyncset.s32 $0xFFFFF086  }
0x25: {  	[simem:s6], [sflag:s4] =	dma.local [hbm:s3], $0xF7A  }
0x26: {  	[smem:$0x3F9F] =	sst s1;
	(tag) =	ssettag s2;
	_ =	strace s9  }
0x27: {  	s1 =	sld [smem:$0x3FAF]  }
0x28: {  	s2 =	sld [smem:$0x3FB0]  }
0x29: {  	s4 =	sld [smem:$0x3FB2]  }
0x2a: {  	p0 =	seq.s32 s5, $0x0;
	s5 =	sld [smem:$0x3FB3]  }
0x2b: {  	s6 =	sld [smem:$0x3FB4]  }
0x2c: {  	s7 =	sld [smem:$0x3FB5]  }
0x2d: {  	s3 =	simm.s32 $0x108;
	s8 =	sld [smem:$0x3FB6]  }
0x2e: {  	s3 =	simm.s32 @!p0 $0x1082;
	s9 =	sld [smem:$0x3FB7]  }
0x2f: {  	lr =	sadd.s32 s0, s3;
	s0 =	sld [smem:$0x3FAE]  }
0x30: {  	s3 =	sld [smem:$0x3FB1]  }
0x31: {  	[smem:$0x3FBA] =	sst s10  }
0x32: {  	s10 =	sld [smem:$0x3FB8];
	_ =	sdelay $0x3  }
0x33: {  	p0 =	seq.s32 s10, $0x1;
	s10 =	sld [smem:$0x3FBA];
	_ =	sdelay $0x3  }
0x34: {  	[smem:$0x3FBA] =	sst s10  }
0x35: {  	s10 =	sld [smem:$0x3FB9];
	_ =	sdelay $0x3  }
0x36: {  	p1 =	seq.s32 s10, $0x1;
	s10 =	sld [smem:$0x3FBA];
	_ =	sdelay $0x3  }
0x37: {  	[smem:$0x3FBA] =	sst s10  }
0x38: {  	s10 =	sld [smem:$0x3FBB]  }
0x39: {  	_ = 	snop;
	(pc) =	sbr.ind lr, $3  }
0x3a: {  	_ = 	snop  }
0x3b: {  	_ = 	snop  }
0x3c: {  	p2 =	seq.s32 s10, $0x1;
	s10 =	sld [smem:$0x3FBA]  }
0x3d: {  	_ =	shalt  }
0x3e: {  	_ =	shalt  }
0x3f: {  	_ =	shalt  }
0x40: {  	_ =	shalt  }
0x41: {  	_ =	shalt  }
0x42: {  	_ =	shalt  }
0x43: {  	_ =	shalt  }
0x44: {  	_ =	shalt  }
0x45: {  	_ =	shalt  }
0x46: {  	_ =	shalt  }
0x47: {  	_ =	shalt  }
0x48: {  	_ =	shalt  }
0x49: {  	_ =	shalt  }
0x4a: {  	_ =	shalt  }
0x4b: {  	_ =	shalt  }
0x4c: {  	_ =	shalt  }
0x4d: {  	_ =	shalt  }
0x4e: {  	_ =	shalt  }
0x4f: {  	_ =	shalt  }
0x50: {  	_ =	shalt  }
0x51: {  	_ =	shalt  }
0x52: {  	_ =	shalt  }
0x53: {  	_ =	shalt  }
0x54: {  	_ =	shalt  }
0x55: {  	_ =	shalt  }
0x56: {  	_ =	shalt  }
0x57: {  	_ =	shalt  }
0x58: {  	_ =	shalt  }
0x59: {  	_ =	shalt  }
0x5a: {  	_ =	shalt  }
0x5b: {  	_ =	shalt  }
0x5c: {  	_ =	shalt  }
0x5d: {  	_ =	shalt  }
0x5e: {  	_ =	shalt  }
0x5f: {  	_ =	shalt  }
0x60: {  	_ =	shalt  }
0x61: {  	_ =	shalt  }
0x62: {  	_ =	shalt  }
0x63: {  	_ =	shalt  }
0x64: {  	_ =	shalt  }
0x65: {  	_ =	shalt  }
0x66: {  	_ =	shalt  }
0x67: {  	_ =	shalt  }
0x68: {  	_ =	shalt  }
0x69: {  	_ =	shalt  }
0x6a: {  	_ =	shalt  }
0x6b: {  	_ =	shalt  }
0x6c: {  	_ =	shalt  }
0x6d: {  	_ =	shalt  }
0x6e: {  	_ =	shalt  }
0x6f: {  	_ =	shalt  }
0x70: {  	_ =	shalt  }
0x71: {  	_ =	shalt  }
0x72: {  	_ =	shalt  }
0x73: {  	_ =	shalt  }
0x74: {  	_ =	shalt  }
0x75: {  	_ =	shalt  }
0x76: {  	_ =	shalt  }
0x77: {  	_ =	shalt  }
0x78: {  	_ =	shalt  }
0x79: {  	_ =	shalt  }
0x7a: {  	_ =	shalt  }
0x7b: {  	_ =	shalt  }
0x7c: {  	_ =	shalt  }
0x7d: {  	_ =	shalt  }
0x7e: {  	_ =	shalt  }
0x7f: {  	_ =	shalt  }
0x80: {  	_ =	shalt  }
0x81: {  	_ =	shalt  }
0x82: {  	_ =	shalt  }
0x83: {  	_ =	shalt  }
0x84: {  	_ =	shalt  }
0x85: {  	_ =	shalt  }
0x86: {  	_ =	shalt  }
0x87: {  	_ =	shalt  }
.Lfunc_end0:
.L_simem_size_0:
called_computation.3_lowered:
.L_overlay_start_0:
0x88: {  	s2 =	sld [smem:$0x3FD9]  }
0x89: {  	s3 =	sld [smem:$0x3FFE];
	_ =	sdelay $0x1  }
0x8a: {  	s1 =	srdreg.scid  }
0x8b: {  	s0 =	sand.u32 $0x1, s1  }
0x8c: {  	s17 =	sshll.u32 s0, $0xA;
	s2 =	sadd.s32 s3, s2  }
0x8d: {  	s2 =	sadd.s32 s2, s17  }
0x8e: {  	[smem:$0x3FC6] =	sst s2  }
0x8f: {  	_ = 	snop  }
0x90: {  	s2 =	sld [smem:$0x3FD0];
	(tm) =	ssettm $0x1  }
0x91: {  	s18 =	sld [smem:$0x3FFB];
	_ =	sdelay $0x3  }
0x92: {  	_ =	strace s18  }
0x93: {  	s3 =	sld [smem:$0x3FFC];
	_ =	sdelay $0x3  }
0x94: {  	_ =	strace s3  }
0x95: {  	s3 =	sld [smem:$0x3FFD];
	_ =	sdelay $0x3  }
0x96: {  	_ =	strace s3  }
0x97: {  	_ =	strace $0x8FFFFFFF  }
0x98: {  	s19 =	sld [smem:$0x3FDB];
	_ =	sdelay $0x1  }
0x99: {  	s4 =	simm.s32 $_scs_section_size  }
0x9a: {  	s5 =	simm.s32 $_size__tile_overlayer_lowered;
	s6 =	simm.s32 $_tile_overlayer_lowered  }
0x9b: {  	s22 =	simm.s32 $0x1BFF;
	s21 =	sshll.u32 s6, $0x1;
	s3 =	sadd.s32 s4, s19  }
0x9c: {  	s7 =	simm.s32 $0x0;
	s20 =	sshll.u32 s5, $0x1;
	s5 =	sadd.s32 s21, s3  }
0x9d: {  	[timem:s7], [sflag:s22] =	dma.local [hbm:s5], s20  }
0x9e: {  	_ =	swait.ge [sflag:s22], s20  }
0x9f: {  	s4 =	ssub.s32 $0x0, s20;
	[sflag:s22] =	ssyncset.done $0x0  }
0xa0: {  	[sflag:s22] =	ssyncadd.s32 s4;
	_ =	sdelay $0x1  }
0xa1: {  	s23 =	simm.s32 $0x1B8B  }
0xa2: {  	_ =	swait.ge [sflag:s23], $0x1  }
0xa3: {  	[sflag:s23] =	ssyncset.done $0x0  }
0xa4: {  	s25 =	simm.s32 $0x1B8E;
	s24 =	sld [smem:$0x3FFE];
	[sflag:s23] =	ssyncadd.s32 $0xFFFFFFFF  }
0xa5: {  	s26 =	simm.s32 $execute0_lowered;
	[smem:$0x3FD2] =	sst s25  }
0xa6: {  	s5 =	sshll.u32 s26, $0x1;
	_ =	strace $0x8000004C;
	[dreg:$0x1] =	wrdreg $0xFFFFFFFF  }
0xa7: {  	s28 =	simm.s32 $_size_execute0_lowered;
	s3 =	sadd.s32 s3, s5;
	[dreg:$0x0] =	wrdreg $0x0  }
0xa8: {  	s5 =	sshll.u32 s28, $0x1;
	[dreg:$0x2] =	wrdreg s3  }
0xa9: {  	[dreg:$0x3] =	wrdreg s5  }
0xaa: {  	[dreg:$0x4] =	wrdreg $0xC0  }
0xab: {  	_ =	task [dreg:s7], $0x5FFFF  }
0xac: {  	[dreg:$0x1] =	wrdreg $0xFFFFFFFF  }
0xad: {  	[dreg:$0x0] =	wrdreg $0x60  }
0xae: {  	[dreg:$0x2] =	wrdreg s24  }
0xaf: {  	[dreg:$0x3] =	wrdreg s2  }
0xb0: {  	[dreg:$0x4] =	wrdreg $0x9  }
0xb1: {  	_ =	task.clear_ibuf [dreg:s7], $0x5FFFF;
	_ =	strace $0x9000004C  }
0xb2: {  	s29 =	simm.s32 $0x9;
	_ =	strace $0x8000004E  }
0xb3: {  	_ =	swait.ge [sflag:s29], $0x1  }
0xb4: {  	[sflag:s29] =	ssyncadd.s32 $0xFFFFFFFF  }
0xb5: {  	_ =	strace $0x9000004E  }
0xb6: {  	_ =	sfence  }
0xb7: {  	s30 =	sld [smem:$0x0];
	_ =	sdelay $0x2  }
0xb8: {  	s31 =	sshll.u32 s1, $0xD;
	s1 =	sshrl.u32 s1, $0x2  }
0xb9: {  	s3 =	sand.u32 $0x4000, s31;
	s1 =	sadd.s32 s1, s30  }
0xba: {  	s0 =	sor.u32 s3, s0;
	s1 =	sshll.u32 s1, $0x11  }
0xbb: {  	s0 =	sor.u32 s1, s0  }
0xbc: {  	s0 =	sadd.s32 $0x8F2B, s0  }
0xbd: {  	[sflag:s0] =	ssyncadd.remote.s32 $0x1  }
0xbe: {  	_ =	sfence.sel $0xFFFF  }
0xbf: {  	[dreg:$0x0] =	wrdreg $0xFFFFFFFF;
	(pc) =	sbr.abs _section_cstart, $3  }
0xc0: {  	[dreg:$0x1] =	wrdreg $0xFFFFFFFF  }
0xc1: {  	_ =	task.clear_ibuf [dreg:s7], $0x2FFFF;
	_ =	strace $0x9FFFFFFF  }
0xc2: {  	(tm) =	ssettm $0x7FFFFFFF  }
0xc3: {  	_ =	shalt  }
tec
execute0_lowered:
.L_overlay_start_1:
0x0: {  	(tag) =	ssettag $0x1  }
0x1: {  	s0 =	srdreg.scid  }
0x2: {  	s2 =	stileid.u32;
	s1 =	rddreg [dreg:$0x0]  }
0x3: {  	s19 =	simm.s32 $0x100;
	s20 =	simm.s32 $0x6;
	s21 =	simm.s32 $0xC0  }
0x4: {  	s22 =	simm.s32 $0x8;
	s23 =	simm.s32 $0x18900;
	s24 =	simm.s32 $0xC500  }
0x5: {  	s25 =	simm.s32 $0x2;
	s29 =	simm.s32 $0x4;
	s30 =	simm.s32 $0x5  }
0x6: {  	s31 =	simm.s32 $0x0;
	s0 =	sand.u32 $0x1, s0;
	s3 =	sshll.u32 s2, $0x1  }
0x7: {  	s2 =	rddreg [dreg:$0x1];
	s9 =	sadd.s32 $0x540A00, s1;
	s4 =	sor.u32 s0, s3  }
0x8: {  	s3 =	simm.s32 $0x0;
	s0 =	ssub.s32 $0x2, s0;
	s5 =	smul.u32 $0x18, s4  }
0x9: {  	[smem:$0x7FF] =	sst s3;
	s6 =	smul.u32 $0x12600, s4;
	s7 =	sshrl.u32 s0, $0x1  }
0xa: {  	s8 =	smul.u32 $0x93000, s4;
	s4 =	sshll.u32 s4, $0x3;
	_ =	strace $0x8000004D  }
0xb: {  	s0 =	ssub.s32 s0, s7;
	s5 =	sadd.s32 s5, s1;
	s6 =	sadd.s32 s9, s6  }
0xc: {  	s26 =	sshrl.u32 s8, $0x3;
	s18 =	smax.u32 s0, $0x1;
	s0 =	simm.s32 $0x10  }
0xd: {  	[dreg:$0x3] =	wrdreg s6;
	s5 =	sadd.s32 $0x540600, s5;
	s6 =	sadd.s32 s1, s4  }
0xe: {  	s28 =	sadd.s32 s9, s26;
	s1 =	simm.s32 $0x1;
	s26 =	simm.s32 $0x3  }
0xf: {  	[dreg:$0x4] =	wrdreg s5;
	s7 =	sadd.s32 $0x1880, s28;
	s8 =	sadd.s32 $0x3100, s28  }
0x10: {  	s9 =	sadd.s32 $0x4980, s28;
	s10 =	sadd.s32 $0x6200, s28;
	s11 =	sadd.s32 $0x7A80, s28  }
0x11: {  	s12 =	sadd.s32 $0x9300, s28;
	s13 =	sadd.s32 $0xAB80, s28;
	s14 =	sadd.s32 $0xC400, s28  }
0x12: {  	v0 =	vimm.f32 $0.0e+00;
	s15 =	sadd.s32 $0xDC80, s28;
	s16 =	sadd.s32 $0xF500, s28;
	s17 =	sadd.s32 $0x10D80, s28  }
.LBB2_1:
0x13: {  	s4 =	rddreg [dreg:$0x3]  }
0x14: {  	[tilespmem:s19], [sflag:$0x1] =	stream.linear.gather [hbm4b:s4+s3], $0xC400, $0x38;
	[tilespmem:$0x1EB00] =	vst v63  }
0x15: {  	s5 =	rddreg [dreg:$0x4]  }
0x16: {  	[tilespmem:s3], [sflag:$0x6] =	stream.linear.gather [hbm4b:s5+s3], $0xC0, $0x38;
	[tilespmem:$0x1EB00] =	vst v63  }
0x17: {  	_ =	swait.ge [sflag:s20], $0xC0  }
0x18: {  	[sflag:s20] =	ssyncset.done $0x0  }
0x19: {  	[sflag:s20] =	ssyncadd.s32 $0xFFFFFF40  }
0x1a: {  	[tilespmem:s21], [sflag:$0x6] =	stream.linear.gather [hbm4b:s6+s3], $0x40, $0x38;
	[tilespmem:$0x1EB00] =	vst v63  }
0x1b: {  	_ =	swait.ge [sflag:s20], $0x40  }
0x1c: {  	[sflag:s20] =	ssyncset.done $0x0  }
0x1d: {  	s28 =	simm.s32 $0x40;
	s4 =	simm.s32 $0x0;
	[sflag:s20] =	ssyncadd.s32 $0xFFFFFFC0  }
.LBB2_2:
0x1e: {  	p0 =	sne.s32 s28, $0x30C0;
	[tilespmem:s4+$0x18900] =	vst v0;
	s4 =	smov.u32 s28;
	s28 =	sadd.s32 $0x40, s28  }
.Ltmp0:
0x1f: {  	(pc) =	sbr.rel @p0 .LBB2_2-.Ltmp0, $2  }
0x20: {  	_ =	sdelay $0x2  }
0x21: {  	s4 =	sshra.s32 s4, $0x2  }
0x22: {  	[tilespmem:s4+$0x18900] =	vst v0;
	s28 =	simm.s32 $0x40;
	s4 =	simm.s32 $0x0  }
.LBB2_4:
0x23: {  	p0 =	sne.s32 s28, $0x30C0;
	[tilespmem:s4+$0x19540] =	vst v0;
	s4 =	smov.u32 s28;
	s28 =	sadd.s32 $0x40, s28  }
.Ltmp1:
0x24: {  	(pc) =	sbr.rel @p0 .LBB2_4-.Ltmp1, $2  }
0x25: {  	_ =	sdelay $0x2  }
0x26: {  	s4 =	sshra.s32 s4, $0x2  }
0x27: {  	[tilespmem:s4+$0x19540] =	vst v0;
	s28 =	simm.s32 $0x40;
	s4 =	simm.s32 $0x0  }
.LBB2_6:
0x28: {  	p0 =	sne.s32 s28, $0x30C0;
	[tilespmem:s4+$0x1A180] =	vst v0;
	s4 =	smov.u32 s28;
	s28 =	sadd.s32 $0x40, s28  }
.Ltmp2:
0x29: {  	(pc) =	sbr.rel @p0 .LBB2_6-.Ltmp2, $2  }
0x2a: {  	_ =	sdelay $0x2  }
0x2b: {  	s4 =	sshra.s32 s4, $0x2  }
0x2c: {  	[tilespmem:s4+$0x1A180] =	vst v0;
	s28 =	simm.s32 $0x40;
	s4 =	simm.s32 $0x0  }
.LBB2_8:
0x2d: {  	p0 =	sne.s32 s28, $0x30C0;
	[tilespmem:s4+$0x1ADC0] =	vst v0;
	s4 =	smov.u32 s28;
	s28 =	sadd.s32 $0x40, s28  }
.Ltmp3:
0x2e: {  	(pc) =	sbr.rel @p0 .LBB2_8-.Ltmp3, $2  }
0x2f: {  	_ =	sdelay $0x2  }
0x30: {  	s4 =	sshra.s32 s4, $0x2  }
0x31: {  	[tilespmem:s4+$0x1ADC0] =	vst v0;
	s28 =	simm.s32 $0x40;
	s4 =	simm.s32 $0x0  }
.LBB2_10:
0x32: {  	p0 =	sne.s32 s28, $0x30C0;
	[tilespmem:s4+$0x1BA00] =	vst v0;
	s4 =	smov.u32 s28;
	s28 =	sadd.s32 $0x40, s28  }
.Ltmp4:
0x33: {  	(pc) =	sbr.rel @p0 .LBB2_10-.Ltmp4, $2  }
0x34: {  	_ =	sdelay $0x2  }
0x35: {  	s4 =	sshra.s32 s4, $0x2  }
0x36: {  	[tilespmem:s4+$0x1BA00] =	vst v0;
	s28 =	simm.s32 $0x0;
	s4 =	simm.s32 $0x40;
	s5 =	simm.s32 $0x0  }
.LBB2_12:
0x37: {  	p0 =	sne.s32 s4, $0x30C0;
	[tilespmem:s5+$0x1C640] =	vst v0;
	s5 =	smov.u32 s4;
	s4 =	sadd.s32 $0x40, s4  }
.Ltmp5:
0x38: {  	(pc) =	sbr.rel @p0 .LBB2_12-.Ltmp5, $2  }
0x39: {  	_ =	sdelay $0x2  }
0x3a: {  	s5 =	sshra.s32 s5, $0x2  }
0x3b: {  	[tilespmem:s5+$0x1C640] =	vst v0  }
.LBB2_14:
0x3c: {  	p0 =	sne.s32 s28, $0x30C0  }
.Ltmp6:
0x3d: {  	_ = 	snop;
	(pc) =	sbr.rel @p0 .LBB2_14-.Ltmp6, $3  }
0x3e: {  	_ =	sdelay $0x1  }
0x3f: {  	s4 =	sshra.s32 s28, $0x2  }
0x40: {  	s28 =	sadd.s32 $0x40, s28;
	[tilespmem:s4+$0x1D280] =	vst v0  }
0x41: {  	s4 =	simm.s32 $0x40;
	s5 =	simm.s32 $0x0  }
.LBB2_16:
0x42: {  	p0 =	sne.s32 s4, $0x30C0;
	[tilespmem:s5+$0x1DEC0] =	vst v0;
	s5 =	smov.u32 s4;
	s4 =	sadd.s32 $0x40, s4  }
.Ltmp7:
0x43: {  	(pc) =	sbr.rel @p0 .LBB2_16-.Ltmp7, $2  }
0x44: {  	_ =	sdelay $0x2  }
0x45: {  	s5 =	sshra.s32 s5, $0x2  }
0x46: {  	[tilespmem:s5+$0x1DEC0] =	vst v0  }
0x47: {  	[hbm4b:s2+s22] =	stream.indirect.scatter [tilespmem:s23], [sflag:$0x5], $0xC40, s21, s22, $0xb8;
	[tilespmem:$0x1EB00] =	vst v63  }
0x48: {  	s4 =	simm.s32 $0xC8  }
0x49: {  	[hbm4b:s2+s22] =	stream.indirect.scatter [tilespmem:s23], [sflag:$0x5], $0xC40, s4, s22, $0xb8;
	[tilespmem:$0x1EB00] =	vst v63  }
0x4a: {  	s5 =	simm.s32 $0xD0  }
0x4b: {  	[hbm4b:s2+s22] =	stream.indirect.scatter [tilespmem:s23], [sflag:$0x5], $0xC40, s5, s22, $0xb8;
	[tilespmem:$0x1EB00] =	vst v63  }
0x4c: {  	s28 =	simm.s32 $0xD8  }
0x4d: {  	[hbm4b:s2+s22] =	stream.indirect.scatter [tilespmem:s23], [sflag:$0x5], $0xC40, s28, s22, $0xb8;
	[tilespmem:$0x1EB00] =	vst v63  }
0x4e: {  	s5 =	simm.s32 $0xE0  }
0x4f: {  	[hbm4b:s2+s22] =	stream.indirect.scatter [tilespmem:s23], [sflag:$0x5], $0xC40, s5, s22, $0xb8;
	[tilespmem:$0x1EB00] =	vst v63  }
0x50: {  	s28 =	simm.s32 $0xE8  }
0x51: {  	[hbm4b:s2+s22] =	stream.indirect.scatter [tilespmem:s23], [sflag:$0x5], $0xC40, s28, s22, $0xb8;
	[tilespmem:$0x1EB00] =	vst v63  }
0x52: {  	s5 =	simm.s32 $0xF0  }
0x53: {  	[hbm4b:s2+s22] =	stream.indirect.scatter [tilespmem:s23], [sflag:$0x5], $0xC40, s5, s22, $0xb8;
	[tilespmem:$0x1EB00] =	vst v63  }
0x54: {  	s28 =	simm.s32 $0xF8  }
0x55: {  	[hbm4b:s2+s22] =	stream.indirect.scatter [tilespmem:s23], [sflag:$0x5], $0xC40, s28, s22, $0xb8;
	[tilespmem:$0x1EB00] =	vst v63  }
0x56: {  	_ =	swait.ge [sflag:s1], $0xC400  }
0x57: {  	[sflag:s1] =	ssyncset.done $0x0  }
0x58: {  	[sflag:s1] =	ssyncadd.s32 $0xFFFF3C00  }
0x59: {  	[hbm4b:s2+s0] =	stream.indirect.scatter [tilespmem:s19], [sflag:$0x3], $0xC40, s3, s0, $0xb8;
	[tilespmem:$0x1EB00] =	vst v63  }
0x5a: {  	_ = 	snop  }
0x5b: {  	[tilespmem:s24], [sflag:$0x2] =	stream.linear.gather [hbm4b:s7+s3], $0xC400, $0x38;
	[tilespmem:$0x1EB00] =	vst v63  }
0x5c: {  	_ =	swait.ge [sflag:s25], $0xC400  }
0x5d: {  	[sflag:s25] =	ssyncset.done $0x0  }
0x5e: {  	[sflag:s25] =	ssyncadd.s32 $0xFFFF3C00  }
0x5f: {  	[hbm4b:s2+s0] =	stream.indirect.scatter [tilespmem:s24], [sflag:$0x4], $0xC40, s0, s0, $0xb8;
	[tilespmem:$0x1EB00] =	vst v63  }
0x60: {  	_ =	swait.ge [sflag:s26], $0xC400  }
0x61: {  	[sflag:s26] =	ssyncset.done $0x0  }
0x62: {  	[sflag:s26] =	ssyncadd.s32 $0xFFFF3C00  }
0x63: {  	[tilespmem:s19], [sflag:$0x1] =	stream.linear.gather [hbm4b:s8+s3], $0xC400, $0x38;
	[tilespmem:$0x1EB00] =	vst v63  }
0x64: {  	_ =	swait.ge [sflag:s1], $0xC400  }
0x65: {  	[sflag:s1] =	ssyncset.done $0x0  }
0x66: {  	s5 =	simm.s32 $0x20;
	[sflag:s1] =	ssyncadd.s32 $0xFFFF3C00  }
0x67: {  	[hbm4b:s2+s0] =	stream.indirect.scatter [tilespmem:s19], [sflag:$0x3], $0xC40, s5, s0, $0xb8;
	[tilespmem:$0x1EB00] =	vst v63  }
0x68: {  	_ =	swait.ge [sflag:s29], $0xC400  }
0x69: {  	[sflag:s29] =	ssyncset.done $0x0  }
0x6a: {  	[sflag:s29] =	ssyncadd.s32 $0xFFFF3C00  }
0x6b: {  	[tilespmem:s24], [sflag:$0x2] =	stream.linear.gather [hbm4b:s9+s3], $0xC400, $0x38;
	[tilespmem:$0x1EB00] =	vst v63  }
0x6c: {  	_ =	swait.ge [sflag:s25], $0xC400  }
0x6d: {  	[sflag:s25] =	ssyncset.done $0x0  }
0x6e: {  	s28 =	simm.s32 $0x30;
	[sflag:s25] =	ssyncadd.s32 $0xFFFF3C00  }
0x6f: {  	[hbm4b:s2+s0] =	stream.indirect.scatter [tilespmem:s24], [sflag:$0x4], $0xC40, s28, s0, $0xb8;
	[tilespmem:$0x1EB00] =	vst v63  }
0x70: {  	_ =	swait.ge [sflag:s26], $0xC400  }
0x71: {  	[sflag:s26] =	ssyncset.done $0x0  }
0x72: {  	[sflag:s26] =	ssyncadd.s32 $0xFFFF3C00  }
0x73: {  	[tilespmem:s19], [sflag:$0x1] =	stream.linear.gather [hbm4b:s10+s3], $0xC400, $0x38;
	[tilespmem:$0x1EB00] =	vst v63  }
0x74: {  	_ =	swait.ge [sflag:s1], $0xC400  }
0x75: {  	[sflag:s1] =	ssyncset.done $0x0  }
0x76: {  	s5 =	simm.s32 $0x40;
	[sflag:s1] =	ssyncadd.s32 $0xFFFF3C00  }
0x77: {  	[hbm4b:s2+s0] =	stream.indirect.scatter [tilespmem:s19], [sflag:$0x3], $0xC40, s5, s0, $0xb8;
	[tilespmem:$0x1EB00] =	vst v63  }
0x78: {  	_ =	swait.ge [sflag:s29], $0xC400  }
0x79: {  	[sflag:s29] =	ssyncset.done $0x0  }
0x7a: {  	[sflag:s29] =	ssyncadd.s32 $0xFFFF3C00  }
0x7b: {  	[tilespmem:s24], [sflag:$0x2] =	stream.linear.gather [hbm4b:s11+s3], $0xC400, $0x38;
	[tilespmem:$0x1EB00] =	vst v63  }
0x7c: {  	_ =	swait.ge [sflag:s25], $0xC400  }
0x7d: {  	[sflag:s25] =	ssyncset.done $0x0  }
0x7e: {  	s28 =	simm.s32 $0x50;
	[sflag:s25] =	ssyncadd.s32 $0xFFFF3C00  }
0x7f: {  	[hbm4b:s2+s0] =	stream.indirect.scatter [tilespmem:s24], [sflag:$0x4], $0xC40, s28, s0, $0xb8;
	[tilespmem:$0x1EB00] =	vst v63  }
0x80: {  	_ =	swait.ge [sflag:s26], $0xC400  }
0x81: {  	[sflag:s26] =	ssyncset.done $0x0  }
0x82: {  	[sflag:s26] =	ssyncadd.s32 $0xFFFF3C00  }
0x83: {  	[tilespmem:s19], [sflag:$0x1] =	stream.linear.gather [hbm4b:s12+s3], $0xC400, $0x38;
	[tilespmem:$0x1EB00] =	vst v63  }
0x84: {  	_ =	swait.ge [sflag:s1], $0xC400  }
0x85: {  	[sflag:s1] =	ssyncset.done $0x0  }
0x86: {  	s5 =	simm.s32 $0x60;
	[sflag:s1] =	ssyncadd.s32 $0xFFFF3C00  }
0x87: {  	[hbm4b:s2+s0] =	stream.indirect.scatter [tilespmem:s19], [sflag:$0x3], $0xC40, s5, s0, $0xb8;
	[tilespmem:$0x1EB00] =	vst v63  }
0x88: {  	_ =	swait.ge [sflag:s29], $0xC400  }
0x89: {  	[sflag:s29] =	ssyncset.done $0x0  }
0x8a: {  	[sflag:s29] =	ssyncadd.s32 $0xFFFF3C00  }
0x8b: {  	[tilespmem:s24], [sflag:$0x2] =	stream.linear.gather [hbm4b:s13+s3], $0xC400, $0x38;
	[tilespmem:$0x1EB00] =	vst v63  }
0x8c: {  	_ =	swait.ge [sflag:s25], $0xC400  }
0x8d: {  	[sflag:s25] =	ssyncset.done $0x0  }
0x8e: {  	s28 =	simm.s32 $0x70;
	[sflag:s25] =	ssyncadd.s32 $0xFFFF3C00  }
0x8f: {  	[hbm4b:s2+s0] =	stream.indirect.scatter [tilespmem:s24], [sflag:$0x4], $0xC40, s28, s0, $0xb8;
	[tilespmem:$0x1EB00] =	vst v63  }
0x90: {  	_ =	swait.ge [sflag:s26], $0xC400  }
0x91: {  	[sflag:s26] =	ssyncset.done $0x0  }
0x92: {  	[sflag:s26] =	ssyncadd.s32 $0xFFFF3C00  }
0x93: {  	[tilespmem:s19], [sflag:$0x1] =	stream.linear.gather [hbm4b:s14+s3], $0xC400, $0x38;
	[tilespmem:$0x1EB00] =	vst v63  }
0x94: {  	_ =	swait.ge [sflag:s1], $0xC400  }
0x95: {  	[sflag:s1] =	ssyncset.done $0x0  }
0x96: {  	s5 =	simm.s32 $0x80;
	[sflag:s1] =	ssyncadd.s32 $0xFFFF3C00  }
0x97: {  	[hbm4b:s2+s0] =	stream.indirect.scatter [tilespmem:s19], [sflag:$0x3], $0xC40, s5, s0, $0xb8;
	[tilespmem:$0x1EB00] =	vst v63  }
0x98: {  	_ =	swait.ge [sflag:s29], $0xC400  }
0x99: {  	[sflag:s29] =	ssyncset.done $0x0  }
0x9a: {  	[sflag:s29] =	ssyncadd.s32 $0xFFFF3C00  }
0x9b: {  	[tilespmem:s24], [sflag:$0x2] =	stream.linear.gather [hbm4b:s15+s3], $0xC400, $0x38;
	[tilespmem:$0x1EB00] =	vst v63  }
0x9c: {  	_ =	swait.ge [sflag:s25], $0xC400  }
0x9d: {  	[sflag:s25] =	ssyncset.done $0x0  }
0x9e: {  	s28 =	simm.s32 $0x90;
	[sflag:s25] =	ssyncadd.s32 $0xFFFF3C00  }
0x9f: {  	[hbm4b:s2+s0] =	stream.indirect.scatter [tilespmem:s24], [sflag:$0x4], $0xC40, s28, s0, $0xb8;
	[tilespmem:$0x1EB00] =	vst v63  }
0xa0: {  	_ =	swait.ge [sflag:s26], $0xC400  }
0xa1: {  	[sflag:s26] =	ssyncset.done $0x0  }
0xa2: {  	[sflag:s26] =	ssyncadd.s32 $0xFFFF3C00  }
0xa3: {  	[tilespmem:s19], [sflag:$0x1] =	stream.linear.gather [hbm4b:s16+s3], $0xC400, $0x38;
	[tilespmem:$0x1EB00] =	vst v63  }
0xa4: {  	_ =	swait.ge [sflag:s1], $0xC400  }
0xa5: {  	[sflag:s1] =	ssyncset.done $0x0  }
0xa6: {  	s5 =	simm.s32 $0xA0;
	[sflag:s1] =	ssyncadd.s32 $0xFFFF3C00  }
0xa7: {  	[hbm4b:s2+s0] =	stream.indirect.scatter [tilespmem:s19], [sflag:$0x3], $0xC40, s5, s0, $0xb8;
	[tilespmem:$0x1EB00] =	vst v63  }
0xa8: {  	_ =	swait.ge [sflag:s29], $0xC400  }
0xa9: {  	[sflag:s29] =	ssyncset.done $0x0  }
0xaa: {  	[sflag:s29] =	ssyncadd.s32 $0xFFFF3C00  }
0xab: {  	[tilespmem:s24], [sflag:$0x2] =	stream.linear.gather [hbm4b:s17+s3], $0xC400, $0x38;
	[tilespmem:$0x1EB00] =	vst v63  }
0xac: {  	_ =	swait.ge [sflag:s25], $0xC400  }
0xad: {  	[sflag:s25] =	ssyncset.done $0x0  }
0xae: {  	s28 =	simm.s32 $0xB0;
	[sflag:s25] =	ssyncadd.s32 $0xFFFF3C00  }
0xaf: {  	[hbm4b:s2+s0] =	stream.indirect.scatter [tilespmem:s24], [sflag:$0x4], $0xC40, s28, s0, $0xb8;
	[tilespmem:$0x1EB00] =	vst v63  }
0xb0: {  	_ =	swait.ge [sflag:s26], $0xC400  }
0xb1: {  	[sflag:s26] =	ssyncset.done $0x0  }
0xb2: {  	[sflag:s26] =	ssyncadd.s32 $0xFFFF3C00  }
0xb3: {  	_ =	swait.ge [sflag:s29], $0xC400  }
0xb4: {  	[sflag:s29] =	ssyncset.done $0x0  }
0xb5: {  	[sflag:s29] =	ssyncadd.s32 $0xFFFF3C00  }
0xb6: {  	_ =	swait.ge [sflag:s30], $0x6200  }
0xb7: {  	[sflag:s30] =	ssyncset.done $0x0  }
0xb8: {  	[sflag:s30] =	ssyncadd.s32 $0xFFFF9E00  }
0xb9: {  	_ =	swait.ge [sflag:s30], $0x6200  }
0xba: {  	[sflag:s30] =	ssyncset.done $0x0  }
0xbb: {  	[sflag:s30] =	ssyncadd.s32 $0xFFFF9E00  }
0xbc: {  	_ =	swait.ge [sflag:s30], $0x6200  }
0xbd: {  	[sflag:s30] =	ssyncset.done $0x0  }
0xbe: {  	[sflag:s30] =	ssyncadd.s32 $0xFFFF9E00  }
0xbf: {  	_ =	swait.ge [sflag:s30], $0x6200  }
0xc0: {  	[sflag:s30] =	ssyncset.done $0x0  }
0xc1: {  	[sflag:s30] =	ssyncadd.s32 $0xFFFF9E00  }
0xc2: {  	_ =	swait.ge [sflag:s30], $0x6200  }
0xc3: {  	[sflag:s30] =	ssyncset.done $0x0  }
0xc4: {  	[sflag:s30] =	ssyncadd.s32 $0xFFFF9E00  }
0xc5: {  	_ =	swait.ge [sflag:s30], $0x6200  }
0xc6: {  	[sflag:s30] =	ssyncset.done $0x0  }
0xc7: {  	s31 =	sadd.s32 $0x1, s31;
	[sflag:s30] =	ssyncadd.s32 $0xFFFF9E00  }
0xc8: {  	p0 =	sne.s32 s31, s18;
	_ =	swait.ge [sflag:s30], $0x6200  }
.Ltmp8:
0xc9: {  	[sflag:s30] =	ssyncset.done $0x0;
	(pc) =	sbr.rel @p0 .LBB2_1-.Ltmp8, $4  }
0xca: {  	[sflag:s30] =	ssyncadd.s32 $0xFFFF9E00  }
0xcb: {  	_ =	swait.ge [sflag:s30], $0x6200  }
0xcc: {  	[sflag:s30] =	ssyncset.done $0x0  }
0xcd: {  	[sflag:s30] =	ssyncadd.s32 $0xFFFF9E00  }
0xce: {  	_ =	sfence.sel $0x180000  }
0xcf: {  	[bflag:$0x0] =	sbarrier.arrive $0xFFFF  }
0xd0: {  	_ =	strace $0x9000004D  }
0xd1: {  	s0 =	stileid.u32;
	[bflag:$0x2] =	sbarrier.arrive $0xFFFF  }
0xd2: {  	p0 =	sne.s32 s0, $0x0;
	s0 =	rddreg [dreg:$0x2]  }
0xd3: {  	s0 =	sadd.s32 @!p0 $0x100000, s0  }
0xd4: {  	[sflag:s0] =	ssyncadd.tile.s32 @!p0 $0x1;
	_ =	shalt  }
.Lfunc_end2:
_tile_overlayer_lowered:
.L_overlay_start_2:
0xd5: {  	(tag) =	ssettag $0x2  }
0xd6: {  	s0 =	rddreg [dreg:$0x0];
	s2 =	stileid.u32  }
0xd7: {  	s1 =	rddreg [dreg:$0x1];
	p0 =	sne.s32 s2, $0x0  }
0xd8: {  	s3 =	rddreg [dreg:$0x2];
	[bflag:$0x3] =	sbarrier.arrive $0xFFFF;
	s2 =	simm.s32 @!p0 $0x1C06  }
0xd9: {  	[timem:s3], [sflag:s2] =	dma.local @!p0 [hbm:s0], s1  }
0xda: {  	s0 =	simm.s32 @!p0 $0x6  }
0xdb: {  	_ =	swait.ge @!p0 [sflag:s0], s1  }
0xdc: {  	s1 =	ssub.s32 @!p0 $0x0, s1;
	[sflag:s0] =	ssyncset.done @!p0 $0x0  }
0xdd: {  	[sflag:s0] =	ssyncadd.s32 @!p0 s1  }
0xde: {  	[bflag:$0x3] =	sbarrier.arrive $0xFFFF  }
0xdf: {  	_ =	shalt  }

// kernel: scatter_offload_async_start
scs
__scs_entry_jumppad:
0x0: {  	(pc) =	sbr.rel $0x88, $3  }
0x1: {  	(tag) =	ssettag $0x0;
	lr =	simm.s32 $0x1  }
0x2: {  	[smem:$0x3F9F] =	sst lr;
	_ =	strace $0xD0000000  }
0x3: {  	_ = 	snop  }
0x4: {  	_ = 	snop  }
0x5: {  	_ = 	snop  }
0x6: {  	_ = 	snop  }
0x7: {  	_ = 	snop  }
__scs_overlays_trampoline_lowered:
0x8: {  	[smem:$0x3FAE] =	sst s0  }
0x9: {  	[smem:$0x3FAF] =	sst s1  }
0xa: {  	[smem:$0x3FB0] =	sst s2  }
0xb: {  	[smem:$0x3FB1] =	sst s3  }
0xc: {  	[smem:$0x3FB2] =	sst s4  }
0xd: {  	[smem:$0x3FB3] =	sst s5  }
0xe: {  	[smem:$0x3FB4] =	sst s6  }
0xf: {  	[smem:$0x3FB5] =	sst s7  }
0x10: {  	[smem:$0x3FB6] =	sst s8  }
0x11: {  	[smem:$0x3FB7] =	sst s9;
	s0 =	simm.s32 @!p0 $0x0  }
0x12: {  	s1 =	sld [smem:$0x3F9D];
	s0 =	simm.s32 @p0 $0x1  }
0x13: {  	[smem:$0x3FB8] =	sst s0;
	s0 =	simm.s32 @!p1 $0x0  }
0x14: {  	s2 =	sld [smem:$0x3F9C];
	s0 =	simm.s32 @p1 $0x1  }
0x15: {  	[smem:$0x3FB9] =	sst s0;
	s0 =	simm.s32 @!p2 $0x0  }
0x16: {  	s3 =	sld [smem:$0x3FDB];
	s0 =	simm.s32 @p2 $0x1  }
0x17: {  	s4 =	simm.s32 $0x1BF5;
	[smem:$0x3FBB] =	sst s0  }
0x18: {  	s0 =	sld [smem:$0x3F9E];
	_ =	swait.ge [sflag:s4], $0x0  }
0x19: {  	s7 =	sld [smem:$0x3F9F]  }
0x1a: {  	s8 =	sadd.s32 $0xFFFFE003, lr  }
0x1b: {  	s9 =	sadd.s32 $0xFFFFFEF7, lr;
	s5 =	simm.s32 $0xFFFFFFFF;
	p2 =	slt.u32 s8, $0xFFFFF086  }
0x1c: {  	p1 =	slt.u32 s9, $0xF7A;
	s5 =	simm.s32 @!p2 $0x0  }
0x1d: {  	s5 =	simm.s32 @p1 $0x1;
	p0 =	seq.s32 s7, s2  }
0x1e: {  	s7 =	smul.u32 @!p0 $0xF7A, s2;
	p2 =	seq.s32 @!p0 s5, $0x0  }
0x1f: {  	s9 =	smul.u32 $0xF7A, s1;
	s8 =	simm.s32 @!p0 $0x1BF5;
	p2 =	por !p2, p0  }
0x20: {  	[sflag:s8] =	ssyncset.s32 @!p0 $0xFFFFF086;
	s6 =	sadd.s32 @!p0 s3, s7;
	s7 =	simm.s32 @!p0 $0x108  }
0x21: {  	s3 =	sadd.s32 s3, s9;
	s6 =	sadd.s32 @!p0 $0x88, s6;
	s7 =	simm.s32 @p2 $0x1082  }
0x22: {  	[simem:s7], [sflag:s8] =	dma.local @!p0 [hbm:s6], $0xF7A  }
0x23: {  	s9 =	sor.u32 $0xD0000000, s2;
	s6 =	simm.s32 $0x108;
	_ =	swait.ge @!p0 [sflag:s8], $0x0  }
0x24: {  	s3 =	sadd.s32 $0x88, s3;
	s6 =	simm.s32 @!p1 $0x1082;
	[sflag:s4] =	ssyncset.s32 $0xFFFFF086  }
0x25: {  	[simem:s6], [sflag:s4] =	dma.local [hbm:s3], $0xF7A  }
0x26: {  	[smem:$0x3F9F] =	sst s1;
	(tag) =	ssettag s2;
	_ =	strace s9  }
0x27: {  	s1 =	sld [smem:$0x3FAF]  }
0x28: {  	s2 =	sld [smem:$0x3FB0]  }
0x29: {  	s4 =	sld [smem:$0x3FB2]  }
0x2a: {  	p0 =	seq.s32 s5, $0x0;
	s5 =	sld [smem:$0x3FB3]  }
0x2b: {  	s6 =	sld [smem:$0x3FB4]  }
0x2c: {  	s7 =	sld [smem:$0x3FB5]  }
0x2d: {  	s3 =	simm.s32 $0x108;
	s8 =	sld [smem:$0x3FB6]  }
0x2e: {  	s3 =	simm.s32 @!p0 $0x1082;
	s9 =	sld [smem:$0x3FB7]  }
0x2f: {  	lr =	sadd.s32 s0, s3;
	s0 =	sld [smem:$0x3FAE]  }
0x30: {  	s3 =	sld [smem:$0x3FB1]  }
0x31: {  	[smem:$0x3FBA] =	sst s10  }
0x32: {  	s10 =	sld [smem:$0x3FB8];
	_ =	sdelay $0x3  }
0x33: {  	p0 =	seq.s32 s10, $0x1;
	s10 =	sld [smem:$0x3FBA];
	_ =	sdelay $0x3  }
0x34: {  	[smem:$0x3FBA] =	sst s10  }
0x35: {  	s10 =	sld [smem:$0x3FB9];
	_ =	sdelay $0x3  }
0x36: {  	p1 =	seq.s32 s10, $0x1;
	s10 =	sld [smem:$0x3FBA];
	_ =	sdelay $0x3  }
0x37: {  	[smem:$0x3FBA] =	sst s10  }
0x38: {  	s10 =	sld [smem:$0x3FBB]  }
0x39: {  	_ = 	snop;
	(pc) =	sbr.ind lr, $3  }
0x3a: {  	_ = 	snop  }
0x3b: {  	_ = 	snop  }
0x3c: {  	p2 =	seq.s32 s10, $0x1;
	s10 =	sld [smem:$0x3FBA]  }
0x3d: {  	_ =	shalt  }
0x3e: {  	_ =	shalt  }
0x3f: {  	_ =	shalt  }
0x40: {  	_ =	shalt  }
0x41: {  	_ =	shalt  }
0x42: {  	_ =	shalt  }
0x43: {  	_ =	shalt  }
0x44: {  	_ =	shalt  }
0x45: {  	_ =	shalt  }
0x46: {  	_ =	shalt  }
0x47: {  	_ =	shalt  }
0x48: {  	_ =	shalt  }
0x49: {  	_ =	shalt  }
0x4a: {  	_ =	shalt  }
0x4b: {  	_ =	shalt  }
0x4c: {  	_ =	shalt  }
0x4d: {  	_ =	shalt  }
0x4e: {  	_ =	shalt  }
0x4f: {  	_ =	shalt  }
0x50: {  	_ =	shalt  }
0x51: {  	_ =	shalt  }
0x52: {  	_ =	shalt  }
0x53: {  	_ =	shalt  }
0x54: {  	_ =	shalt  }
0x55: {  	_ =	shalt  }
0x56: {  	_ =	shalt  }
0x57: {  	_ =	shalt  }
0x58: {  	_ =	shalt  }
0x59: {  	_ =	shalt  }
0x5a: {  	_ =	shalt  }
0x5b: {  	_ =	shalt  }
0x5c: {  	_ =	shalt  }
0x5d: {  	_ =	shalt  }
0x5e: {  	_ =	shalt  }
0x5f: {  	_ =	shalt  }
0x60: {  	_ =	shalt  }
0x61: {  	_ =	shalt  }
0x62: {  	_ =	shalt  }
0x63: {  	_ =	shalt  }
0x64: {  	_ =	shalt  }
0x65: {  	_ =	shalt  }
0x66: {  	_ =	shalt  }
0x67: {  	_ =	shalt  }
0x68: {  	_ =	shalt  }
0x69: {  	_ =	shalt  }
0x6a: {  	_ =	shalt  }
0x6b: {  	_ =	shalt  }
0x6c: {  	_ =	shalt  }
0x6d: {  	_ =	shalt  }
0x6e: {  	_ =	shalt  }
0x6f: {  	_ =	shalt  }
0x70: {  	_ =	shalt  }
0x71: {  	_ =	shalt  }
0x72: {  	_ =	shalt  }
0x73: {  	_ =	shalt  }
0x74: {  	_ =	shalt  }
0x75: {  	_ =	shalt  }
0x76: {  	_ =	shalt  }
0x77: {  	_ =	shalt  }
0x78: {  	_ =	shalt  }
0x79: {  	_ =	shalt  }
0x7a: {  	_ =	shalt  }
0x7b: {  	_ =	shalt  }
0x7c: {  	_ =	shalt  }
0x7d: {  	_ =	shalt  }
0x7e: {  	_ =	shalt  }
0x7f: {  	_ =	shalt  }
0x80: {  	_ =	shalt  }
0x81: {  	_ =	shalt  }
0x82: {  	_ =	shalt  }
0x83: {  	_ =	shalt  }
0x84: {  	_ =	shalt  }
0x85: {  	_ =	shalt  }
0x86: {  	_ =	shalt  }
0x87: {  	_ =	shalt  }
.Lfunc_end0:
.L_simem_size_0:
called_computation_lowered:
.L_overlay_start_0:
0x88: {  	s0 =	sld [smem:$0x3FD9]  }
0x89: {  	s1 =	sld [smem:$0x3FFE];
	_ =	sdelay $0x3  }
0x8a: {  	s0 =	sadd.s32 s1, s0  }
0x8b: {  	[smem:$0x3FC6] =	sst s0  }
0x8c: {  	_ = 	snop  }
0x8d: {  	s0 =	sld [smem:$0x3FD0];
	(tm) =	ssettm $0x1  }
0x8e: {  	s16 =	sld [smem:$0x3FFB];
	_ =	sdelay $0x3  }
0x8f: {  	_ =	strace s16  }
0x90: {  	s1 =	sld [smem:$0x3FFC];
	_ =	sdelay $0x3  }
0x91: {  	_ =	strace s1  }
0x92: {  	s1 =	sld [smem:$0x3FFD];
	_ =	sdelay $0x3  }
0x93: {  	_ =	strace s1  }
0x94: {  	_ =	strace $0x8FFFFFFF  }
0x95: {  	s17 =	sld [smem:$0x3FDB];
	_ =	sdelay $0x1  }
0x96: {  	s2 =	simm.s32 $_scs_section_size  }
0x97: {  	s3 =	simm.s32 $_size__tile_overlayer_lowered;
	s4 =	simm.s32 $_tile_overlayer_lowered  }
0x98: {  	s20 =	simm.s32 $0x1BFF;
	s19 =	sshll.u32 s4, $0x1;
	s1 =	sadd.s32 s2, s17  }
0x99: {  	s5 =	simm.s32 $0x0;
	s18 =	sshll.u32 s3, $0x1;
	s3 =	sadd.s32 s19, s1  }
0x9a: {  	[timem:s5], [sflag:s20] =	dma.local [hbm:s3], s18  }
0x9b: {  	_ =	swait.ge [sflag:s20], s18  }
0x9c: {  	s2 =	ssub.s32 $0x0, s18;
	[sflag:s20] =	ssyncset.done $0x0  }
0x9d: {  	[sflag:s20] =	ssyncadd.s32 s2;
	_ =	sdelay $0x1  }
0x9e: {  	s21 =	simm.s32 $0x1B8B  }
0x9f: {  	_ =	swait.ge [sflag:s21], $0x1  }
0xa0: {  	[sflag:s21] =	ssyncset.done $0x0  }
0xa1: {  	s23 =	simm.s32 $0x1B8E;
	s22 =	sld [smem:$0x3FFE];
	[sflag:s21] =	ssyncadd.s32 $0xFFFFFFFF  }
0xa2: {  	s24 =	simm.s32 $execute0_lowered;
	[smem:$0x3FD2] =	sst s23  }
0xa3: {  	s3 =	sshll.u32 s24, $0x1;
	_ =	strace $0x80000046;
	[dreg:$0x1] =	wrdreg $0xFFFFFFFF  }
0xa4: {  	s25 =	simm.s32 $_size_execute0_lowered;
	s1 =	sadd.s32 s1, s3;
	[dreg:$0x0] =	wrdreg $0x0  }
0xa5: {  	s3 =	sshll.u32 s25, $0x1;
	[dreg:$0x2] =	wrdreg s1  }
0xa6: {  	[dreg:$0x3] =	wrdreg s3  }
0xa7: {  	[dreg:$0x4] =	wrdreg $0xC0  }
0xa8: {  	_ =	task [dreg:s5], $0x5FFFF  }
0xa9: {  	[dreg:$0x1] =	wrdreg $0xFFFFFFFF  }
0xaa: {  	[dreg:$0x0] =	wrdreg $0x60  }
0xab: {  	[dreg:$0x2] =	wrdreg s22  }
0xac: {  	[dreg:$0x3] =	wrdreg s0  }
0xad: {  	[dreg:$0x4] =	wrdreg $0x9  }
0xae: {  	_ =	task.clear_ibuf [dreg:s5], $0x5FFFF;
	_ =	strace $0x90000046  }
0xaf: {  	s26 =	simm.s32 $0x9;
	_ =	strace $0x80000048  }
0xb0: {  	_ =	swait.ge [sflag:s26], $0x1  }
0xb1: {  	[sflag:s26] =	ssyncadd.s32 $0xFFFFFFFF  }
0xb2: {  	_ =	strace $0x90000048  }
0xb3: {  	_ =	sfence  }
0xb4: {  	s28 =	sld [smem:$0x0];
	_ =	sdelay $0x1  }
0xb5: {  	s29 =	srdreg.scid  }
0xb6: {  	s30 =	sshll.u32 s29, $0xD;
	s31 =	sshrl.u32 s29, $0x2  }
0xb7: {  	s2 =	sand.u32 $0x4000, s30;
	s1 =	sand.u32 $0x1, s29;
	s0 =	sadd.s32 s31, s28  }
0xb8: {  	s1 =	sor.u32 s2, s1;
	s0 =	sshll.u32 s0, $0x11  }
0xb9: {  	s0 =	sor.u32 s0, s1  }
0xba: {  	s0 =	sadd.s32 $0x8F2B, s0  }
0xbb: {  	[sflag:s0] =	ssyncadd.remote.s32 $0x1  }
0xbc: {  	_ =	sfence.sel $0xFFFF  }
0xbd: {  	[dreg:$0x0] =	wrdreg $0xFFFFFFFF;
	(pc) =	sbr.abs _section_cstart, $3  }
0xbe: {  	[dreg:$0x1] =	wrdreg $0xFFFFFFFF  }
0xbf: {  	_ =	task.clear_ibuf [dreg:s5], $0x2FFFF;
	_ =	strace $0x9FFFFFFF  }
0xc0: {  	(tm) =	ssettm $0x7FFFFFFF  }
0xc1: {  	_ =	shalt  }
tec
execute0_lowered:
.L_overlay_start_1:
0x0: {  	(tag) =	ssettag $0x1  }
0x1: {  	s1 =	rddreg [dreg:$0x0]  }
0x2: {  	s2 =	rddreg [dreg:$0x1]  }
0x3: {  	s0 =	rddreg [dreg:$0x2];
	_ =	strace $0x80000047;
	s3 =	stileid.u32  }
0x4: {  	s5 =	simm.s32 $0x3E;
	s4 =	sadd.s32 $0x200, s1;
	p0 =	sne.s32 s3, $0x0  }
0x5: {  	[sflag:s5] =	ssyncpa.u1 $0x0;
	s6 =	simm.s32 @!p0 $0x1C3E;
	s7 =	simm.s32 @!p0 $0x0  }
0x6: {  	[spmem:s7], [sflag:s6] =	dma.local @!p0 [hbm:s4], $0x10  }
0x7: {  	s6 =	simm.s32 @!p0 $0x3E  }
0x8: {  	_ =	swait.ge @!p0 [sflag:s6], $0x10  }
0x9: {  	[sflag:s6] =	ssyncset.done @!p0 $0x0  }
0xa: {  	[sflag:s6] =	ssyncadd.s32 @!p0 $0xFFFFFFF0  }
0xb: {  	s28 =	simm.s32 $0x1;
	s29 =	simm.s32 $0x2;
	[bflag:$0x0] =	sbarrier.arrive $0xFFFF  }
0xc: {  	s8 =	simm.s32 $0x0;
	s9 =	simm.s32 $0x18;
	[sflag:s5] =	ssyncpa.u1 $0x1  }
0xd: {  	s1 =	sadd.s32 $0x400, s1;
	s3 =	sshll.u32 s3, $0x1;
	[sflag:s28] =	ssyncpa.u1 $0x0  }
0xe: {  	s2 =	sadd.s32 s2, s3;
	(ifvalue) =	ssetifvalue $0x80;
	[sflag:s29] =	ssyncpa.u1 $0x0  }
0xf: {  	[tilespmem:s9], [sflag:$0x2] =	stream.linear.gather [hbm4b:s2+s8], $0x10, $0x38;
	[tilespmem:$0x48] =	vst v63  }
0x10: {  	s30 =	simm.s32 $0x38;
	s1 =	sadd.s32 s1, s3  }
0x11: {  	[tilespmem:s30], [sflag:$0x2] =	stream.linear.gather [hbm4b:s1+s8], $0x10, $0x38;
	[tilespmem:$0x48] =	vst v63  }
0x12: {  	_ =	swait.ge [sflag:s29], $0x20  }
0x13: {  	[sflag:s29] =	ssyncset.done $0x0  }
0x14: {  	[sflag:s29] =	ssyncadd.s32 $0xFFFFFFE0  }
0x15: {  	v0 =	vld.msk [tilespmem:s9+$0x0 ss:$0x1], $0xffff;
	_ =	sdelay $0x4  }
0x16: {  	v0 =	vmin.u32 v0, $0x80;
	_ =	sdelay $0x3  }
0x17: {  	vm0 =	vmmov $0xffff  }
0x18: {  	[spmem:s8] =	stream.indirect_vreg.scatter.add.s32 [tilespmem:s30], [sflag:$0x1], $0x1, v0, vm0, $0x4038;
	[tilespmem:$0x48] =	vst v63  }
0x19: {  	_ =	swait.ge [sflag:s28], $0x10  }
0x1a: {  	[sflag:s28] =	ssyncset.done $0x0  }
0x1b: {  	[sflag:s28] =	ssyncadd.s32 $0xFFFFFFF0  }
0x1c: {  	_ =	sfence.sel $0x180000  }
0x1d: {  	[bflag:$0x0] =	sbarrier.arrive $0xFFFF  }
0x1e: {  	[sflag:s29] =	ssyncpa.u1 $0x1  }
0x1f: {  	[sflag:s28] =	ssyncpa.u1 $0x1  }
0x20: {  	_ =	sfence.stream.spmem  }
0x21: {  	s31 =	simm.s32 $0x3D;
	[bflag:$0x0] =	sbarrier.arrive $0xFFFF  }
0x22: {  	s1 =	simm.s32 @p0 $0x3D;
	[sflag:s31] =	ssyncpa.u1 $0x0  }
0x23: {  	[sflag:s1] =	ssyncpa.u1 @p0 $0x1  }
0x24: {  	[bflag:$0x0] =	sbarrier.arrive @p0 $0xFFFF  }
0x25: {  	_ =	strace @p0 $0x90000047  }
0x26: {  	s1 =	simm.s32 @!p0 $0x1C3D;
	[bflag:$0x2] =	sbarrier.arrive @p0 $0xFFFF  }
0x27: {  	[hbm:s4], [sflag:s1] =	dma.local @!p0 [spmem:s7], $0x10  }
0x28: {  	s1 =	simm.s32 @!p0 $0x3D  }
0x29: {  	_ =	swait.ge @!p0 [sflag:s1], $0x10  }
0x2a: {  	[sflag:s1] =	ssyncset.done @!p0 $0x0  }
0x2b: {  	[sflag:s1] =	ssyncadd.s32 @!p0 $0xFFFFFFF0  }
0x2c: {  	[sflag:s1] =	ssyncpa.u1 @!p0 $0x1  }
0x2d: {  	[bflag:$0x0] =	sbarrier.arrive @!p0 $0xFFFF  }
0x2e: {  	_ =	strace @!p0 $0x90000047  }
0x2f: {  	s0 =	sadd.s32 @!p0 $0x100000, s0;
	[bflag:$0x2] =	sbarrier.arrive @!p0 $0xFFFF  }
0x30: {  	[sflag:s0] =	ssyncadd.tile.s32 @!p0 $0x1;
	_ =	shalt  }
.Lfunc_end2:
_tile_overlayer_lowered:
.L_overlay_start_2:
0x31: {  	(tag) =	ssettag $0x2  }
0x32: {  	s0 =	rddreg [dreg:$0x0];
	s2 =	stileid.u32  }
0x33: {  	s1 =	rddreg [dreg:$0x1];
	p0 =	sne.s32 s2, $0x0  }
0x34: {  	s3 =	rddreg [dreg:$0x2];
	[bflag:$0x3] =	sbarrier.arrive $0xFFFF;
	s2 =	simm.s32 @!p0 $0x1C01  }
0x35: {  	[timem:s3], [sflag:s2] =	dma.local @!p0 [hbm:s0], s1  }
0x36: {  	s0 =	simm.s32 @!p0 $0x1  }
0x37: {  	_ =	swait.ge @!p0 [sflag:s0], s1  }
0x38: {  	s1 =	ssub.s32 @!p0 $0x0, s1;
	[sflag:s0] =	ssyncset.done @!p0 $0x0  }
0x39: {  	[sflag:s0] =	ssyncadd.s32 @!p0 s1  }
0x3a: {  	[bflag:$0x3] =	sbarrier.arrive $0xFFFF  }
0x3b: {  	_ =	shalt  }

// kernel: sparse-core-data-format-call.1.cloned.1.call-start
scs
called_computation.2_lowered:
.L_overlay_start_0:
0x0: {  	s2 =	sld [smem:$0x3FD9]  }
0x1: {  	s3 =	sld [smem:$0x3FFE];
	_ =	sdelay $0x1  }
0x2: {  	s1 =	srdreg.scid  }
0x3: {  	s0 =	sand.u32 $0x1, s1  }
0x4: {  	s18 =	sshll.u32 s0, $0xA;
	s2 =	sadd.s32 s3, s2  }
0x5: {  	s2 =	sadd.s32 s2, s18  }
0x6: {  	[smem:$0x3FC6] =	sst s2  }
0x7: {  	_ = 	snop  }
0x8: {  	s19 =	sld [smem:$0x3FC9];
	(tm) =	ssettm $0x1  }
0x9: {  	s20 =	sld [smem:$0x3FFB];
	_ =	sdelay $0x3  }
0xa: {  	_ =	strace s20  }
0xb: {  	s2 =	sld [smem:$0x3FFC];
	_ =	sdelay $0x3  }
0xc: {  	_ =	strace s2  }
0xd: {  	s2 =	sld [smem:$0x3FFD];
	_ =	sdelay $0x3  }
0xe: {  	_ =	strace s2  }
0xf: {  	_ =	strace $0x8FFFFFFF  }
0x10: {  	s21 =	sld [smem:$0x3FDB];
	_ =	sdelay $0x1  }
0x11: {  	s4 =	simm.s32 $_scs_section_size  }
0x12: {  	s5 =	simm.s32 $_size__tile_overlayer_lowered;
	s6 =	simm.s32 $_tile_overlayer_lowered  }
0x13: {  	s7 =	simm.s32 $0x1BFF;
	s22 =	sshll.u32 s6, $0x1;
	s4 =	sadd.s32 s4, s21  }
0x14: {  	s23 =	simm.s32 $0x0;
	s5 =	sshll.u32 s5, $0x1;
	s6 =	sadd.s32 s22, s4  }
0x15: {  	[timem:s23], [sflag:s7] =	dma.local [hbm:s6], s5  }
0x16: {  	_ =	swait.ge [sflag:s7], s5  }
0x17: {  	s5 =	ssub.s32 $0x0, s5;
	[sflag:s7] =	ssyncset.done $0x0  }
0x18: {  	[sflag:s7] =	ssyncadd.s32 s5;
	_ =	sdelay $0x1  }
0x19: {  	s24 =	simm.s32 $0x1B8B  }
0x1a: {  	_ =	swait.ge [sflag:s24], $0x1  }
0x1b: {  	[sflag:s24] =	ssyncset.done $0x0  }
0x1c: {  	[sflag:s24] =	ssyncadd.s32 $0xFFFFFFFF  }
0x1d: {  	s5 =	sld [smem:$0x0]  }
0x1e: {  	s6 =	sand.u32 $0xFFFFFFFE, s1  }
0x1f: {  	p0 =	sne.s32 s1, s6  }
0x20: {  	s6 =	sshll.u32 @p0 s6, $0xE  }
0x21: {  	s6 =	sadd.s32 @p0 $0x11B8D, s6;
	s7 =	sshll.u32 @p0 s5, $0x11  }
0x22: {  	s6 =	sor.u32 @p0 s7, s6  }
0x23: {  	[sflag:s6] =	ssyncadd.remote.s32 @p0 $0x1;
	_ =	sdelay $0x1  }
0x24: {  	s6 =	simm.s32 @p0 $0x1B8D  }
0x25: {  	_ =	swait.eq @p0 [sflag:s6], $0x1  }
0x26: {  	[sflag:s6] =	ssyncadd.s32 @p0 $0xFFFFFFFF  }
0x27: {  	s7 =	sshll.u32 @!p0 s1, $0xE  }
0x28: {  	s7 =	sor.u32 @!p0 $0x4000, s7;
	s6 =	simm.s32 @!p0 $0x1B8D  }
0x29: {  	s5 =	sshll.u32 @!p0 s5, $0x11;
	s7 =	sadd.s32 @!p0 $0x11B8D, s7;
	_ =	swait.eq @!p0 [sflag:s6], $0x1  }
0x2a: {  	s5 =	sor.u32 @!p0 s5, s7;
	[sflag:s6] =	ssyncadd.s32 @!p0 $0xFFFFFFFF  }
0x2b: {  	s26 =	simm.s32 $0x1B8E;
	s25 =	sld [smem:$0x3FFE];
	[sflag:s5] =	ssyncadd.remote.s32 @!p0 $0x1  }
0x2c: {  	s27 =	simm.s32 $execute0_lowered;
	[smem:$0x3FD2] =	sst s26  }
0x2d: {  	s6 =	sshll.u32 s27, $0x1;
	_ =	strace $0x80000049;
	[dreg:$0x1] =	wrdreg $0xFFFFFFFF  }
0x2e: {  	s28 =	simm.s32 $_size_execute0_lowered;
	s4 =	sadd.s32 s4, s6;
	[dreg:$0x0] =	wrdreg $0x0  }
0x2f: {  	s6 =	sshll.u32 s28, $0x1;
	[dreg:$0x2] =	wrdreg s4  }
0x30: {  	[dreg:$0x3] =	wrdreg s6  }
0x31: {  	[dreg:$0x4] =	wrdreg $0xC0  }
0x32: {  	_ =	task [dreg:s23], $0x5FFFF  }
0x33: {  	[dreg:$0x1] =	wrdreg $0xFFFFFFFF  }
0x34: {  	[dreg:$0x0] =	wrdreg $0x60  }
0x35: {  	[dreg:$0x2] =	wrdreg s19  }
0x36: {  	[dreg:$0x3] =	wrdreg s25  }
0x37: {  	[dreg:$0x4] =	wrdreg $0xA  }
0x38: {  	_ =	task.clear_ibuf [dreg:s23], $0x5FFFF;
	_ =	strace $0x90000049  }
0x39: {  	s29 =	simm.s32 $0xA;
	_ =	strace $0x8000004B  }
0x3a: {  	_ =	swait.ge [sflag:s29], $0x1  }
0x3b: {  	[sflag:s29] =	ssyncadd.s32 $0xFFFFFFFF  }
0x3c: {  	_ =	strace $0x9000004B  }
0x3d: {  	_ =	sfence  }
0x3e: {  	s30 =	sld [smem:$0x0];
	_ =	sdelay $0x2  }
0x3f: {  	s31 =	sshll.u32 s1, $0xD;
	s1 =	sshrl.u32 s1, $0x2  }
0x40: {  	s4 =	sand.u32 $0x4000, s31;
	s1 =	sadd.s32 s1, s30  }
0x41: {  	s0 =	sor.u32 s4, s0;
	s1 =	sshll.u32 s1, $0x11  }
0x42: {  	s0 =	sor.u32 s1, s0  }
0x43: {  	s0 =	sadd.s32 $0x8F2B, s0  }
0x44: {  	[sflag:s0] =	ssyncadd.remote.s32 $0x1  }
0x45: {  	_ =	sfence.sel $0xFFFF  }
0x46: {  	[dreg:$0x0] =	wrdreg $0xFFFFFFFF;
	(pc) =	sbr.abs _section_cstart, $3  }
0x47: {  	[dreg:$0x1] =	wrdreg $0xFFFFFFFF  }
0x48: {  	_ =	task.clear_ibuf [dreg:s23], $0x2FFFF;
	_ =	strace $0x9FFFFFFF  }
0x49: {  	(tm) =	ssettm $0x7FFFFFFF  }
tec
execute0_lowered:
.L_overlay_start_1:
0x0: {  	(tag) =	ssettag $0x1  }
0x1: {  	s2 =	rddreg [dreg:$0x0]  }
0x2: {  	s0 =	rddreg [dreg:$0x1];
	_ =	strace $0x8000004A  }
0x3: {  	s3 =	srdreg.scid;
	s1 =	stileid.u32;
	s6 =	simm.s32 $0x2  }
0x4: {  	s13 =	simm.s32 $0x0;
	p0 =	por $0x0, $0x0;
	s7 =	simm.s32 $0x1C00  }
.Ltmp0:
0x5: {  	s14 =	simm.s32 $0x0;
	s9 =	simm.s32 $0x0;
	(pc) =	sbr.rel .LBB1_1-.Ltmp0, $4  }
0x6: {  	s10 =	simm.s32 $0x0;
	s11 =	simm.s32 $0x0;
	s4 =	sshll.u32 s3, $0x4  }
0x7: {  	s8 =	simm.s32 $0x0;
	s3 =	simm.s32 $0x1;
	s5 =	sand.u32 $0x10, s4  }
0x8: {  	[sflag:s3] =	ssyncpa.u1 $0x0;
	s4 =	sadd.s32 $0x600, s0;
	s5 =	sor.u32 s1, s5  }
0x9: {  	[sflag:s6] =	ssyncpa.u1 $0x0;
	s6 =	simm.s32 $0x40;
	s12 =	smov.u32 s5  }
.LBB1_9:
0xa: {  	s0 =	sand.u32 $0x1FFFFFF, s9  }
0xb: {  	s16 =	smulhi.u32 $0x4924925, s0  }
0xc: {  	s17 =	smul.u32 $0x4100, s18  }
0xd: {  	s16 =	smul.u32 $0x38, s16  }
0xe: {  	s30 =	smul.u32 $0x2A000, s10  }
0xf: {  	s15 =	smul.u32 $0x3000, s15;
	s0 =	ssub.s32 s0, s16  }
0x10: {  	s31 =	sadd.s32 s4, s30;
	s0 =	sshll.u32 s0, $0x4  }
0x11: {  	s15 =	sand.u32 $0x3FFFF000, s15;
	s17 =	sor.u32 $0x8000, s17;
	s0 =	sadd.s32 s0, s31  }
0x12: {  	[hbm4b:s0+s6] =	stream.strided.scatter [tilespmem:s17], [sflag:$0x2], s15, s7, s6, $0x18;
	[tilespmem:$0x10200] =	vst v63  }
.LBB1_10:
0x13: {  	p1 =	slt.u32 s8, $0x2  }
0x14: {  	p2 =	sgt.s32 @!p1 s14, $0x1F  }
0x15: {  	s0 =	smov.u32 s14;
	s15 =	sshra.s32 @!p1 s14, $0x1F;
	p2 =	por !p2, p1  }
0x16: {  	s16 =	sshra.s32 @!p1 s13, $0x1F;
	s0 =	simm.s32 @p2 $0x1F;
	p2 =	sgt.s32 @!p1 s13, $0x37  }
0x17: {  	s14 =	sand.u32 @!p1 s15, s14;
	s15 =	smov.u32 s13;
	p2 =	por !p2, p1  }
0x18: {  	s13 =	sand.u32 @!p1 s16, s13;
	s0 =	ssub.s32 @!p1 s0, s14;
	s15 =	simm.s32 @p2 $0x37  }
0x19: {  	s17 =	smov.u32 s12;
	s14 =	sadd.s32 @!p1 $0xFFFFFFE1, s0;
	s13 =	ssub.s32 @!p1 s15, s13  }
0x1a: {  	s0 =	ssub.s32 @!p1 $0x20, s0;
	p2 =	sgt.s32 @!p1 s14, $0x0;
	s13 =	sadd.s32 @!p1 $0xFFFFFFC9, s13  }
0x1b: {  	s0 =	smul.u32 @!p1 $0xC0, s0;
	p3 =	sgt.s32 @!p1 s13, $0x0;
	s13 =	sshll.u32 @!p1 s13, $0x6  }
0x1c: {  	p2 =	por !p2, p1;
	s13 =	ssub.s32 @!p1 $0x40, s13;
	p3 =	por !p3, p1  }
0x1d: {  	s15 =	sadd.s32 $0x1, s11;
	s0 =	simm.s32 @!p2 $0x0;
	s13 =	simm.s32 @!p3 $0x0  }
0x1e: {  	p2 =	sgt.s32 s15, $0x37;
	s0 =	smul.u32 @!p1 s0, s13;
	s13 =	sadd.s32 $0x20, s12  }
0x1f: {  	s17 =	smov.u32 @p2 s13  }
0x20: {  	s8 =	sadd.s32 $0x1, s8;
	s15 =	simm.s32 @p2 $0x0;
	p2 =	sgt.s32 s17, $0x1F  }
0x21: {  	s17 =	smov.u32 @p2 s5;
	p2 =	sne.s32 s8, $0x3A  }
.Ltmp1:
0x22: {  	p0 =	por !p0, !p0;
	(pc) =	sbr.rel @!p2 .LBB1_11-.Ltmp1, $4  }
0x23: {  	s16 =	simm.s32 @!p1 $0x2;
	s14 =	smov.u32 s10;
	s0 =	sand.u32 @!p1 $0x3FFFF000, s0  }
0x24: {  	s10 =	smov.u32 s12;
	s13 =	smov.u32 s9;
	_ =	swait.ge @!p1 [sflag:s16], s0  }
0x25: {  	s9 =	smov.u32 s11;
	s0 =	ssub.s32 @!p1 $0x0, s0;
	[sflag:s16] =	ssyncset.done @!p1 $0x0  }
0x26: {  	s11 =	smov.u32 s15;
	s12 =	smov.u32 s17;
	[sflag:s16] =	ssyncadd.s32 @!p1 s0  }
.LBB1_1:
0x27: {  	p1 =	sgt.u32 s8, $0x37  }
0x28: {  	p2 =	sgt.s32 @!p1 s12, $0x1F  }
0x29: {  	s0 =	smov.u32 s12;
	s16 =	smov.u32 s11;
	p2 =	por !p2, p1  }
0x2a: {  	s15 =	sshra.s32 @!p1 s12, $0x1F;
	s0 =	simm.s32 @p2 $0x1F;
	p2 =	sgt.s32 @!p1 s11, $0x37  }
0x2b: {  	s17 =	sshra.s32 @!p1 s11, $0x1F;
	s15 =	sand.u32 @!p1 s15, s12;
	p2 =	por !p2, p1  }
0x2c: {  	s17 =	sand.u32 @!p1 s17, s11;
	s0 =	ssub.s32 @!p1 s0, s15;
	s16 =	simm.s32 @p2 $0x37  }
0x2d: {  	s15 =	ssub.s32 @!p1 s16, s17;
	s16 =	sadd.s32 @!p1 $0xFFFFFFE1, s0  }
0x2e: {  	s0 =	ssub.s32 @!p1 $0x20, s0;
	s17 =	sadd.s32 @!p1 $0xFFFFFFC9, s15;
	p2 =	sgt.s32 @!p1 s16, $0x0  }
0x2f: {  	s0 =	smul.u32 @!p1 $0xE000, s0;
	s15 =	ssub.s32 @!p1 $0x38, s15;
	p3 =	sgt.s32 @!p1 s17, $0x0  }
0x30: {  	s16 =	smul.u32 @!p1 $0x18800, s12;
	p2 =	por !p2, p1;
	p3 =	por !p3, p1  }
0x31: {  	s17 =	smul.u32 @!p1 $0x700, s11;
	s0 =	simm.s32 @!p2 $0x0;
	s15 =	simm.s32 @!p3 $0x0  }
0x32: {  	s16 =	sadd.s32 @!p1 s2, s16;
	s0 =	smul.u32 @!p1 s15, s0;
	s15 =	sxor.u32 @!p1 $0xFFFFFFFF, s8  }
0x33: {  	s16 =	sadd.s32 @!p1 s17, s16;
	s15 =	sshll.u32 @!p1 s15, $0xE  }
0x34: {  	s17 =	simm.s32 @!p1 $0x0;
	s15 =	sand.u32 @!p1 $0x4000, s15;
	s0 =	sshrl.u32 @!p1 s0, $0x2  }
0x35: {  	[tilespmem:s15], [sflag:$0x1] =	stream.linear.gather @!p1 [hbm4b:s16+s17], s0, $0x38;
	[tilespmem:$0x10200] =	vst v63  }
0x36: {  	p1 =	seq.s32 s8, $0x0  }
0x37: {  	p2 =	seq.s32 @!p1 s8, $0x39  }
0x38: {  	p1 =	por p1, p2  }
.Ltmp2:
0x39: {  	_ = 	snop;
	(pc) =	sbr.rel @p1 .LBB1_10-.Ltmp2, $1  }
0x3a: {  	_ =	sdelay $0x3  }
0x3b: {  	p1 =	sgt.s32 s10, $0x1F  }
0x3c: {  	s0 =	smov.u32 s10;
	s15 =	sshra.s32 s10, $0x1F;
	s16 =	smov.u32 s9  }
0x3d: {  	s17 =	sshra.s32 s9, $0x1F;
	s0 =	simm.s32 @!p1 $0x1F;
	p1 =	sgt.s32 s9, $0x37  }
0x3e: {  	s15 =	sand.u32 s15, s10;
	s29 =	sand.u32 s17, s9;
	s16 =	simm.s32 @!p1 $0x37  }
0x3f: {  	s0 =	ssub.s32 s0, s15;
	s15 =	ssub.s32 s16, s29  }
0x40: {  	s30 =	sadd.s32 $0xFFFFFFE1, s0;
	s0 =	ssub.s32 $0x20, s0;
	s16 =	sadd.s32 $0xFFFFFFC9, s15  }
0x41: {  	p1 =	sgt.s32 s30, $0x0;
	s15 =	ssub.s32 $0x38, s15;
	p2 =	sgt.s32 s16, $0x0  }
0x42: {  	s0 =	simm.s32 @p1 $0x0;
	s15 =	simm.s32 @p2 $0x0  }
0x43: {  	s15 =	smul.u32 s0, s15;
	s0 =	sadd.s32 $0x1, s10  }
0x44: {  	s17 =	sadd.s32 $0x1, s9;
	p1 =	slt.s32 s0, $0x20  }
0x45: {  	s0 =	simm.s32 @!p1 $0x20;
	p1 =	slt.s32 s17, $0x38  }
0x46: {  	s16 =	ssub.s32 s0, s10;
	s17 =	simm.s32 @!p1 $0x38  }
0x47: {  	s17 =	ssub.s32 s17, s9;
	p1 =	slt.s32 s16, $0x1  }
0x48: {  	p2 =	slt.s32 @!p1 s17, $0x1  }
0x49: {  	s18 =	smul.u32 $0xE000, s15;
	p2 =	por p1, p2  }
.Ltmp3:
0x4a: {  	_ = 	snop;
	(pc) =	sbr.rel @p2 .LBB1_9-.Ltmp3, $4  }
0x4b: {  	s31 =	sshrl.u32 s18, $0x2  }
0x4c: {  	_ =	swait.ge [sflag:s3], s31  }
0x4d: {  	s0 =	ssub.s32 $0x0, s31;
	[sflag:s3] =	ssyncset.done $0x0  }
0x4e: {  	s18 =	sand.u32 $0x1, s8;
	[sflag:s3] =	ssyncadd.s32 s0  }
0x4f: {  	s0 =	simm.s32 $0x1  }
0x50: {  	s0 =	simm.s32 @!p0 $0x0  }
0x51: {  	s0 =	smul.u32 $0x10400, s0;
	_ =	sdelay $0x1  }
0x52: {  	s0 =	sshrl.u32 s0, $0x2  }
0x53: {  	s20 =	sshll.u32 @!p1 s18, $0xE;
	s21 =	simm.s32 $0x0;
	s19 =	sor.u32 $0x8000, s0  }
.LBB1_4:
0x54: {  	s22 =	simm.s32 $0x0;
	s23 =	simm.s32 $0x0  }
.LBB1_5:
0x55: {  	s0 =	sadd.s32 s21, s23  }
0x56: {  	s0 =	sshll.u32 s0, $0xE  }
0x57: {  	s24 =	sadd.s32 s0, s20  }
0x58: {  	v0 =	vmov s24;
	_ =	sdelay $0x1  }
0x59: {  	s24 =	simm.s32 $0x0  }
0x5a: {  	v1 =	vmov s0;
	s26 =	sand.u32 $0x3800, s24;
	s25 =	sand.u32 $0x380, s24  }
0x5b: {  	s0 =	sor.u32 s25, s26  }
0x5c: {  	s25 =	sand.u32 $0x3B00, s0;
	v2 =	vld.idx.msk [tilespmem:v0+s0+$0x410 ss:$0x1], $0xffff  }
0x5d: {  	s24 =	sand.u32 $0x80, s24;
	s25 =	sadd.s32 s25, s20;
	v3 =	vld.idx.msk [tilespmem:v0+s0+$0x420 ss:$0x1], $0xffff  }
0x5e: {  	s27 =	sadd.s32 s24, s25;
	v4 =	vld.idx.msk [tilespmem:v0+s0+$0x430 ss:$0x1], $0xffff  }
0x5f: {  	s26 =	sand.u32 $0x7, s22;
	v10 =	vld.idx.msk [tilespmem:v1+s27+$0x400 ss:$0x1], $0xffff  }
0x60: {  	s0 =	smul.u32 $0x104, s26;
	v11 =	vld.idx.msk [tilespmem:v1+s27+$0x0 ss:$0x1], $0xffff  }
0x61: {  	v9 =	vld.idx.msk [tilespmem:v1+s27+$0x10 ss:$0x1], $0xffff  }
0x62: {  	v5 =	vld.idx.msk [tilespmem:v1+s27+$0x20 ss:$0x1], $0xffff;
	s0 =	sshrl.u32 s0, $0x2  }
0x63: {  	v6 =	vld.idx.msk [tilespmem:v1+s27+$0x30 ss:$0x1], $0xffff;
	s24 =	sadd.s32 s0, s19  }
0x64: {  	v7 =	vld.idx.msk [tilespmem:v1+s27+$0x40 ss:$0x1], $0xffff;
	s25 =	sadd.s32 $0x0, s24  }
0x65: {  	s28 =	simm.s32 $0x80;
	s29 =	simm.s32 $0x100;
	s30 =	simm.s32 $0x8;
	v8 =	vld.idx.msk [tilespmem:v1+s27+$0x50 ss:$0x1], $0xffff;
	[tilespmem:s25+$0x2080 ss:$0x41] =	vst.msk $0xffff, v10  }
0x66: {  	s31 =	sand.u32 $0x3800, s29;
	s26 =	simm.s32 $0x4;
	s0 =	sand.u32 $0x380, s28;
	[tilespmem:s25+$0x0 ss:$0x41] =	vst.msk $0xffff, v11;
	v10 =	vld.idx.msk [tilespmem:v1+s27+$0x60 ss:$0x1], $0xffff  }
.LBB1_6:
0x67: {  	p1 =	sne.s32 s30, $0xDC;
	s0 =	sor.u32 s0, s31;
	[tilespmem:s25+$0x410 ss:$0x41] =	vst.msk $0xffff, v9;
	v11 =	vld.idx.msk [tilespmem:v1+s27+$0x70 ss:$0x1], $0xffff  }
0x68: {  	s27 =	sand.u32 $0x3B00, s0;
	v12 =	vld.idx.msk [tilespmem:v0+s0+$0x410 ss:$0x1], $0xffff;
	[tilespmem:s25+$0x820 ss:$0x41] =	vst.msk $0xffff, v5  }
0x69: {  	s31 =	sand.u32 $0x80, s28;
	s27 =	sadd.s32 s27, s20;
	v13 =	vld.idx.msk [tilespmem:v0+s0+$0x420 ss:$0x1], $0xffff;
	[tilespmem:s25+$0xC30 ss:$0x41] =	vst.msk $0xffff, v6  }
0x6a: {  	s27 =	sadd.s32 s31, s27;
	v14 =	vld.idx.msk [tilespmem:v0+s0+$0x430 ss:$0x1], $0xffff;
	[tilespmem:s25+$0x1040 ss:$0x41] =	vst.msk $0xffff, v7  }
0x6b: {  	v15 =	vld.idx.msk [tilespmem:v1+s27+$0x400 ss:$0x1], $0xffff;
	[tilespmem:s25+$0x1450 ss:$0x41] =	vst.msk $0xffff, v8  }
0x6c: {  	v16 =	vld.idx.msk [tilespmem:v1+s27+$0x0 ss:$0x1], $0xffff;
	[tilespmem:s25+$0x1860 ss:$0x41] =	vst.msk $0xffff, v10  }
0x6d: {  	v9 =	vld.idx.msk [tilespmem:v1+s27+$0x10 ss:$0x1], $0xffff;
	[tilespmem:s25+$0x1C70 ss:$0x41] =	vst.msk $0xffff, v11  }
.Ltmp4:
0x6e: {  	v5 =	vld.idx.msk [tilespmem:v1+s27+$0x20 ss:$0x1], $0xffff;
	[tilespmem:s25+$0x2490 ss:$0x41] =	vst.msk $0xffff, v2;
	v2 =	vmov v12;
	(pc) =	sbr.rel @p1 .LBB1_6-.Ltmp4, $4  }
0x6f: {  	s0 =	sshra.s32 s26, $0x2;
	s26 =	smov.u32 s30;
	v6 =	vld.idx.msk [tilespmem:v1+s27+$0x30 ss:$0x1], $0xffff;
	[tilespmem:s25+$0x28A0 ss:$0x41] =	vst.msk $0xffff, v3;
	v3 =	vmov v13  }
0x70: {  	v7 =	vld.idx.msk [tilespmem:v1+s27+$0x40 ss:$0x1], $0xffff;
	[tilespmem:s25+$0x2CB0 ss:$0x41] =	vst.msk $0xffff, v4;
	s25 =	sadd.s32 s0, s24;
	v4 =	vmov v14  }
0x71: {  	s28 =	sadd.s32 $0x80, s28;
	s29 =	sadd.s32 $0x100, s29;
	v8 =	vld.idx.msk [tilespmem:v1+s27+$0x50 ss:$0x1], $0xffff;
	[tilespmem:s25+$0x2080 ss:$0x41] =	vst.msk $0xffff, v15  }
0x72: {  	s31 =	sand.u32 $0x3800, s29;
	s30 =	sadd.s32 $0x4, s30;
	s0 =	sand.u32 $0x380, s28;
	[tilespmem:s25+$0x0 ss:$0x41] =	vst.msk $0xffff, v16;
	v10 =	vld.idx.msk [tilespmem:v1+s27+$0x60 ss:$0x1], $0xffff  }
0x73: {  	[tilespmem:s25+$0x410 ss:$0x41] =	vst.msk $0xffff, v9  }
0x74: {  	[tilespmem:s25+$0x820 ss:$0x41] =	vst.msk $0xffff, v5  }
0x75: {  	[tilespmem:s25+$0x2490 ss:$0x41] =	vst.msk $0xffff, v2  }
0x76: {  	[tilespmem:s25+$0x28A0 ss:$0x41] =	vst.msk $0xffff, v3  }
0x77: {  	s0 =	sor.u32 s0, s31;
	v51 =	vld.idx.msk [tilespmem:v1+s27+$0x70 ss:$0x1], $0xffff;
	[tilespmem:s25+$0x2CB0 ss:$0x41] =	vst.msk $0xffff, v4  }
0x78: {  	s31 =	sand.u32 $0x3B00, s0;
	[tilespmem:s25+$0xC30 ss:$0x41] =	vst.msk $0xffff, v6;
	v61 =	vld.idx.msk [tilespmem:v0+s0+$0x410 ss:$0x1], $0xffff  }
0x79: {  	s28 =	sand.u32 $0x80, s28;
	v62 =	vld.idx.msk [tilespmem:v0+s0+$0x420 ss:$0x1], $0xffff;
	s27 =	sadd.s32 s31, s20;
	[tilespmem:s25+$0x1040 ss:$0x41] =	vst.msk $0xffff, v7  }
0x7a: {  	v63 =	vld.idx.msk [tilespmem:v0+s0+$0x430 ss:$0x1], $0xffff;
	s27 =	sadd.s32 s28, s27;
	[tilespmem:s25+$0x1450 ss:$0x41] =	vst.msk $0xffff, v8  }
0x7b: {  	s26 =	sshra.s32 s26, $0x2;
	v52 =	vld.idx.msk [tilespmem:v1+s27+$0x400 ss:$0x1], $0xffff;
	[tilespmem:s25+$0x1860 ss:$0x41] =	vst.msk $0xffff, v10  }
0x7c: {  	s24 =	sadd.s32 s26, s24;
	v53 =	vld.idx.msk [tilespmem:v1+s27+$0x0 ss:$0x1], $0xffff;
	[tilespmem:s25+$0x1C70 ss:$0x41] =	vst.msk $0xffff, v51  }
0x7d: {  	v54 =	vld.idx.msk [tilespmem:v1+s27+$0x10 ss:$0x1], $0xffff;
	[tilespmem:s24+$0x2490 ss:$0x41] =	vst.msk $0xffff, v61  }
0x7e: {  	v55 =	vld.idx.msk [tilespmem:v1+s27+$0x20 ss:$0x1], $0xffff;
	[tilespmem:s24+$0x28A0 ss:$0x41] =	vst.msk $0xffff, v62  }
0x7f: {  	v56 =	vld.idx.msk [tilespmem:v1+s27+$0x30 ss:$0x1], $0xffff;
	[tilespmem:s24+$0x2CB0 ss:$0x41] =	vst.msk $0xffff, v63  }
0x80: {  	v57 =	vld.idx.msk [tilespmem:v1+s27+$0x40 ss:$0x1], $0xffff;
	[tilespmem:s24+$0x2080 ss:$0x41] =	vst.msk $0xffff, v52  }
0x81: {  	v58 =	vld.idx.msk [tilespmem:v1+s27+$0x50 ss:$0x1], $0xffff;
	[tilespmem:s24+$0x0 ss:$0x41] =	vst.msk $0xffff, v53  }
0x82: {  	s23 =	sadd.s32 $0x1, s23;
	v59 =	vld.idx.msk [tilespmem:v1+s27+$0x60 ss:$0x1], $0xffff;
	[tilespmem:s24+$0x410 ss:$0x41] =	vst.msk $0xffff, v54  }
0x83: {  	p1 =	sne.s32 s23, s17;
	v60 =	vld.idx.msk [tilespmem:v1+s27+$0x70 ss:$0x1], $0xffff;
	[tilespmem:s24+$0x820 ss:$0x41] =	vst.msk $0xffff, v55  }
.Ltmp5:
0x84: {  	[tilespmem:s24+$0xC30 ss:$0x41] =	vst.msk $0xffff, v56;
	(pc) =	sbr.rel @p1 .LBB1_5-.Ltmp5, $4  }
0x85: {  	[tilespmem:s24+$0x1040 ss:$0x41] =	vst.msk $0xffff, v57  }
0x86: {  	[tilespmem:s24+$0x1450 ss:$0x41] =	vst.msk $0xffff, v58  }
0x87: {  	[tilespmem:s24+$0x1860 ss:$0x41] =	vst.msk $0xffff, v59  }
0x88: {  	s22 =	sadd.s32 $0x1, s22;
	[tilespmem:s24+$0x1C70 ss:$0x41] =	vst.msk $0xffff, v60  }
0x89: {  	s21 =	sadd.s32 $0x1, s21  }
0x8a: {  	p1 =	sne.s32 s21, s16  }
.Ltmp6:
0x8b: {  	_ = 	snop;
	(pc) =	sbr.rel @p1 .LBB1_4-.Ltmp6, $4  }
.Ltmp7:
0x8c: {  	_ = 	snop;
	(pc) =	sbr.rel @!p1 .LBB1_9-.Ltmp7, $4  }
0x8d: {  	_ = 	snop  }
0x8e: {  	_ = 	snop  }
0x8f: {  	s19 =	sadd.s32 $0x4100, s19  }
0x90: {  	_ = 	snop  }
.LBB1_11:
0x91: {  	_ =	sfence.sel $0x180000  }
0x92: {  	s0 =	simm.s32 $0x1;
	[bflag:$0x0] =	sbarrier.arrive $0xFFFF  }
0x93: {  	s31 =	simm.s32 $0x2;
	[sflag:s0] =	ssyncpa.u1 $0x1  }
0x94: {  	[sflag:s31] =	ssyncpa.u1 $0x1  }
0x95: {  	_ =	strace $0x9000004A  }
0x96: {  	[bflag:$0x2] =	sbarrier.arrive $0xFFFF  }
0x97: {  	p0 =	sne.s32 s1, $0x0;
	s0 =	rddreg [dreg:$0x2]  }
0x98: {  	s0 =	sadd.s32 @!p0 $0x100000, s0  }
0x99: {  	[sflag:s0] =	ssyncadd.tile.s32 @!p0 $0x1;
	_ =	shalt  }
.Lfunc_end1:
_tile_overlayer_lowered:
.L_overlay_start_2:
0x9a: {  	(tag) =	ssettag $0x2  }
0x9b: {  	s0 =	rddreg [dreg:$0x0];
	s2 =	stileid.u32  }
0x9c: {  	s1 =	rddreg [dreg:$0x1];
	p0 =	sne.s32 s2, $0x0  }
0x9d: {  	s3 =	rddreg [dreg:$0x2];
	[bflag:$0x3] =	sbarrier.arrive $0xFFFF;
	s2 =	simm.s32 @!p0 $0x1C01  }
0x9e: {  	[timem:s3], [sflag:s2] =	dma.local @!p0 [hbm:s0], s1  }
0x9f: {  	s0 =	simm.s32 @!p0 $0x1  }
0xa0: {  	_ =	swait.ge @!p0 [sflag:s0], s1  }
0xa1: {  	s1 =	ssub.s32 @!p0 $0x0, s1;
	[sflag:s0] =	ssyncset.done @!p0 $0x0  }
0xa2: {  	[sflag:s0] =	ssyncadd.s32 @!p0 s1  }
0xa3: {  	[bflag:$0x3] =	sbarrier.arrive $0xFFFF  }
0xa4: {  	_ =	shalt  }

// kernel: sparse-core-data-format-call.cloned.1.call-start
scs
called_computation.1_lowered:
.L_overlay_start_0:
0x0: {  	s2 =	sld [smem:$0x3FD9]  }
0x1: {  	s3 =	sld [smem:$0x3FFE];
	_ =	sdelay $0x1  }
0x2: {  	s1 =	srdreg.scid  }
0x3: {  	s0 =	sand.u32 $0x1, s1  }
0x4: {  	s18 =	sshll.u32 s0, $0xA;
	s2 =	sadd.s32 s3, s2  }
0x5: {  	s2 =	sadd.s32 s2, s18  }
0x6: {  	[smem:$0x3FC6] =	sst s2  }
0x7: {  	_ = 	snop  }
0x8: {  	s2 =	sld [smem:$0x3FD0];
	(tm) =	ssettm $0x1  }
0x9: {  	s19 =	sld [smem:$0x3FFB];
	_ =	sdelay $0x3  }
0xa: {  	_ =	strace s19  }
0xb: {  	s3 =	sld [smem:$0x3FFC];
	_ =	sdelay $0x3  }
0xc: {  	_ =	strace s3  }
0xd: {  	s3 =	sld [smem:$0x3FFD];
	_ =	sdelay $0x3  }
0xe: {  	_ =	strace s3  }
0xf: {  	_ =	strace $0x8FFFFFFF  }
0x10: {  	s20 =	sld [smem:$0x3FDB];
	_ =	sdelay $0x1  }
0x11: {  	s4 =	simm.s32 $_scs_section_size  }
0x12: {  	s5 =	simm.s32 $_size__tile_overlayer_lowered;
	s6 =	simm.s32 $_tile_overlayer_lowered  }
0x13: {  	s23 =	simm.s32 $0x1BFF;
	s22 =	sshll.u32 s6, $0x1;
	s3 =	sadd.s32 s4, s20  }
0x14: {  	s7 =	simm.s32 $0x0;
	s21 =	sshll.u32 s5, $0x1;
	s5 =	sadd.s32 s22, s3  }
0x15: {  	[timem:s7], [sflag:s23] =	dma.local [hbm:s5], s21  }
0x16: {  	_ =	swait.ge [sflag:s23], s21  }
0x17: {  	s4 =	ssub.s32 $0x0, s21;
	[sflag:s23] =	ssyncset.done $0x0  }
0x18: {  	[sflag:s23] =	ssyncadd.s32 s4;
	_ =	sdelay $0x1  }
0x19: {  	s24 =	simm.s32 $0x1B8B  }
0x1a: {  	_ =	swait.ge [sflag:s24], $0x1  }
0x1b: {  	[sflag:s24] =	ssyncset.done $0x0  }
0x1c: {  	s26 =	simm.s32 $0x1B8E;
	s25 =	sld [smem:$0x3FFE];
	[sflag:s24] =	ssyncadd.s32 $0xFFFFFFFF  }
0x1d: {  	s27 =	simm.s32 $execute0_lowered;
	[smem:$0x3FD2] =	sst s26  }
0x1e: {  	s5 =	sshll.u32 s27, $0x1;
	_ =	strace $0x8000004F;
	[dreg:$0x1] =	wrdreg $0xFFFFFFFF  }
0x1f: {  	s28 =	simm.s32 $_size_execute0_lowered;
	s3 =	sadd.s32 s3, s5;
	[dreg:$0x0] =	wrdreg $0x0  }
0x20: {  	s5 =	sshll.u32 s28, $0x1;
	[dreg:$0x2] =	wrdreg s3  }
0x21: {  	[dreg:$0x3] =	wrdreg s5  }
0x22: {  	[dreg:$0x4] =	wrdreg $0xC0  }
0x23: {  	_ =	task [dreg:s7], $0x5FFFF  }
0x24: {  	[dreg:$0x1] =	wrdreg $0xFFFFFFFF  }
0x25: {  	[dreg:$0x0] =	wrdreg $0x60  }
0x26: {  	[dreg:$0x2] =	wrdreg s25  }
0x27: {  	[dreg:$0x3] =	wrdreg s2  }
0x28: {  	[dreg:$0x4] =	wrdreg $0x9  }
0x29: {  	_ =	task.clear_ibuf [dreg:s7], $0x5FFFF;
	_ =	strace $0x9000004F  }
0x2a: {  	s29 =	simm.s32 $0x9;
	_ =	strace $0x80000051  }
0x2b: {  	_ =	swait.ge [sflag:s29], $0x1  }
0x2c: {  	[sflag:s29] =	ssyncadd.s32 $0xFFFFFFFF  }
0x2d: {  	_ =	strace $0x90000051  }
0x2e: {  	_ =	sfence  }
0x2f: {  	s30 =	sld [smem:$0x0];
	_ =	sdelay $0x2  }
0x30: {  	s31 =	sshll.u32 s1, $0xD;
	s1 =	sshrl.u32 s1, $0x2  }
0x31: {  	s3 =	sand.u32 $0x4000, s31;
	s1 =	sadd.s32 s1, s30  }
0x32: {  	s0 =	sor.u32 s3, s0;
	s1 =	sshll.u32 s1, $0x11  }
0x33: {  	s0 =	sor.u32 s1, s0  }
0x34: {  	s0 =	sadd.s32 $0x8F2B, s0  }
0x35: {  	[sflag:s0] =	ssyncadd.remote.s32 $0x1  }
0x36: {  	_ =	sfence.sel $0xFFFF  }
0x37: {  	[dreg:$0x0] =	wrdreg $0xFFFFFFFF;
	(pc) =	sbr.abs _section_cstart, $3  }
0x38: {  	[dreg:$0x1] =	wrdreg $0xFFFFFFFF  }
0x39: {  	_ =	task.clear_ibuf [dreg:s7], $0x2FFFF;
	_ =	strace $0x9FFFFFFF  }
0x3a: {  	(tm) =	ssettm $0x7FFFFFFF  }
0x3b: {  	_ =	shalt  }
tec
execute0_lowered:
.L_overlay_start_1:
0x0: {  	(tag) =	ssettag $0x1  }
0x1: {  	s2 =	rddreg [dreg:$0x0]  }
0x2: {  	s3 =	rddreg [dreg:$0x1]  }
0x3: {  	s0 =	rddreg [dreg:$0x2];
	s1 =	srdreg.scid;
	_ =	strace $0x80000050  }
0x4: {  	s6 =	simm.s32 $0x2;
	s14 =	simm.s32 $0x0;
	p0 =	por $0x0, $0x0  }
0x5: {  	s15 =	simm.s32 $0x0;
	s16 =	simm.s32 $0x0;
	s7 =	simm.s32 $0x0  }
.Ltmp0:
0x6: {  	s9 =	simm.s32 $0x0;
	s10 =	simm.s32 $0x0;
	(pc) =	sbr.rel .LBB1_1-.Ltmp0, $4  }
0x7: {  	s11 =	simm.s32 $0x0;
	s12 =	simm.s32 $0x0;
	s4 =	sshll.u32 s1, $0x4  }
0x8: {  	s1 =	stileid.u32;
	s5 =	sand.u32 $0x10, s4;
	s4 =	simm.s32 $0x1  }
0x9: {  	s8 =	simm.s32 $0x0;
	s5 =	sor.u32 s1, s5;
	[sflag:s4] =	ssyncpa.u1 $0x0  }
0xa: {  	[sflag:s6] =	ssyncpa.u1 $0x0;
	s6 =	simm.s32 $0x800;
	s13 =	smov.u32 s5  }
.LBB1_5:
0xb: {  	p1 =	slt.u32 s8, $0x2  }
0xc: {  	p2 =	sgt.s32 @!p1 s16, $0x1F  }
0xd: {  	s17 =	smov.u32 s16;
	s18 =	sshra.s32 @!p1 s16, $0x1F;
	p2 =	por !p2, p1  }
0xe: {  	p3 =	sgt.s32 @!p1 s15, $0x80;
	s16 =	sand.u32 @!p1 s18, s16;
	s17 =	simm.s32 @p2 $0x1F  }
0xf: {  	s19 =	smov.u32 s14;
	p3 =	por !p3, p1;
	s16 =	ssub.s32 @!p1 s17, s16  }
0x10: {  	s18 =	sshra.s32 @!p1 s15, $0x1F;
	s17 =	sadd.s32 @!p1 $0xFFFFFFE1, s16;
	s16 =	ssub.s32 @!p1 $0x20, s16  }
0x11: {  	p2 =	sgt.s32 @!p1 s17, $0x0;
	s17 =	smov.u32 s15;
	s15 =	sand.u32 @!p1 s18, s15  }
0x12: {  	s18 =	sshra.s32 @!p1 s14, $0x1F;
	s17 =	simm.s32 @p3 $0x80;
	p3 =	sgt.s32 @!p1 s14, $0x37  }
0x13: {  	s16 =	smul.u32 @!p1 $0x38, s16;
	p3 =	por !p3, p1;
	s15 =	ssub.s32 @!p1 s17, s15  }
0x14: {  	s14 =	sand.u32 @!p1 s18, s14;
	s19 =	simm.s32 @p3 $0x37;
	s17 =	sadd.s32 @!p1 $0xFFFFFF80, s15  }
0x15: {  	p2 =	por !p2, p1;
	s14 =	ssub.s32 @!p1 s19, s14;
	p3 =	sgt.s32 @!p1 s17, $0x7F  }
0x16: {  	s15 =	ssub.s32 @!p1 $0x100, s15;
	s18 =	sadd.s32 @!p1 $0xFFFFFFC9, s14;
	p3 =	por !p3, p1  }
0x17: {  	s16 =	simm.s32 @!p2 $0x0;
	s15 =	simm.s32 @!p3 $0x0;
	p3 =	sgt.s32 @!p1 s18, $0x0  }
0x18: {  	s14 =	ssub.s32 @!p1 $0x38, s14;
	p2 =	por !p3, p1;
	s15 =	smul.u32 @!p1 s15, s16  }
0x19: {  	s17 =	sadd.s32 $0x1, s11;
	s18 =	smov.u32 s12;
	s14 =	simm.s32 @!p2 $0x0  }
0x1a: {  	p2 =	sgt.s32 s17, $0x37;
	s14 =	smul.u32 @!p1 s14, s15;
	s15 =	sadd.s32 $0x80, s12  }
0x1b: {  	s18 =	smov.u32 @p2 s15  }
0x1c: {  	s20 =	smov.u32 s13;
	s15 =	sadd.s32 $0x20, s13;
	p3 =	sgt.s32 s18, $0xFF  }
0x1d: {  	s8 =	sadd.s32 $0x1, s8;
	p0 =	por !p0, !p0;
	s20 =	smov.u32 @p3 s15  }
0x1e: {  	s19 =	simm.s32 @!p1 $0x2;
	s17 =	simm.s32 @p2 $0x0;
	p2 =	sgt.s32 s20, $0x1F  }
0x1f: {  	s16 =	smov.u32 s10;
	s20 =	smov.u32 @p2 s5;
	p2 =	sne.s32 s8, $0x72  }
.Ltmp1:
0x20: {  	s10 =	smov.u32 s13;
	s14 =	sand.u32 @!p1 $0x3FFFFFF8, s14;
	(pc) =	sbr.rel @!p2 .LBB1_6-.Ltmp1, $4  }
0x21: {  	_ =	swait.ge @!p1 [sflag:s19], s14;
	s21 =	ssub.s32 @!p1 $0x0, s14;
	s14 =	smov.u32 s7  }
0x22: {  	s15 =	smov.u32 s9;
	s18 =	simm.s32 @p3 $0x0;
	s7 =	smov.u32 s11  }
0x23: {  	s9 =	smov.u32 s12;
	s11 =	smov.u32 s17;
	[sflag:s19] =	ssyncset.done @!p1 $0x0  }
0x24: {  	s12 =	smov.u32 s18;
	[sflag:s19] =	ssyncadd.s32 @!p1 s21;
	s13 =	smov.u32 s20  }
.LBB1_1:
0x25: {  	p1 =	sgt.u32 s8, $0x6F  }
0x26: {  	s17 =	sand.u32 @!p1 $0x1FFFFFF, s11;
	s19 =	smul.u32 @!p1 $0x38000, s13  }
0x27: {  	s18 =	smulhi.u32 @!p1 $0x4924925, s17  }
0x28: {  	s21 =	smul.u32 @!p1 $0x380, s12  }
0x29: {  	s18 =	smul.u32 @!p1 $0x38, s18  }
0x2a: {  	s19 =	sadd.s32 @!p1 s2, s19  }
0x2b: {  	s20 =	sxor.u32 @!p1 $0xFFFFFFFF, s8;
	s19 =	sadd.s32 @!p1 s21, s19;
	s17 =	ssub.s32 @!p1 s17, s18  }
0x2c: {  	s18 =	sshll.u32 @!p1 s20, $0xD;
	s20 =	simm.s32 @!p1 $0x1C00;
	s17 =	sshll.u32 @!p1 s17, $0x4  }
0x2d: {  	s18 =	sand.u32 @!p1 $0x2000, s18;
	s17 =	sadd.s32 @!p1 s17, s19;
	s19 =	simm.s32 @!p1 $0x40  }
0x2e: {  	[tilespmem:s18], [sflag:$0x1] =	stream.strided.gather @!p1 [hbm4b:s17+s19], $0x2000, s20, s19, $0x38;
	[tilespmem:$0x8080] =	vst v63  }
0x2f: {  	p1 =	seq.s32 s8, $0x0  }
0x30: {  	p2 =	seq.s32 @!p1 s8, $0x71  }
0x31: {  	p1 =	por p1, p2  }
.Ltmp2:
0x32: {  	_ = 	snop;
	(pc) =	sbr.rel @p1 .LBB1_5-.Ltmp2, $1  }
0x33: {  	_ =	sdelay $0x3  }
0x34: {  	s17 =	simm.s32 $0x1  }
0x35: {  	_ =	swait.ge [sflag:s4], $0x2000;
	s17 =	simm.s32 @!p0 $0x0  }
0x36: {  	[sflag:s4] =	ssyncset.done $0x0;
	s18 =	sshll.u32 s17, $0xD  }
0x37: {  	[sflag:s4] =	ssyncadd.s32 $0xFFFFE000;
	s21 =	sor.u32 $0x20, s18  }
0x38: {  	s17 =	smul.u32 $0x8100, s17;
	v3 =	vld [tilespmem:s21+$0x10]  }
0x39: {  	s30 =	sand.u32 $0x1, s8;
	v2 =	vld [tilespmem:s21+$0xFFFFFFF0]  }
0x3a: {  	s18 =	smul.u32 $0x8100, s30;
	s17 =	sshrl.u32 s17, $0x2;
	v0 =	vld [tilespmem:s21+$0x0]  }
0x3b: {  	v1 =	vld [tilespmem:s21+$0xFFFFFFE0];
	s19 =	sor.u32 $0x4000, s17  }
0x3c: {  	s31 =	sshrl.u32 s18, $0x2;
	s18 =	sadd.s32 $0x0, s19  }
0x3d: {  	s20 =	simm.s32 $0x4;
	s21 =	sadd.s32 $0x40, s21;
	s17 =	sor.u32 $0x4000, s31;
	[tilespmem:s18+$0x1830 ss:$0x81] =	vst.msk $0xffff, v3  }
.LBB1_3:
0x3e: {  	v3 =	vld [tilespmem:s21+$0x10];
	p1 =	sne.s32 s20, $0x1FC;
	[tilespmem:s18+$0x810 ss:$0x81] =	vst.msk $0xffff, v2;
	s22 =	smov.u32 s20;
	s20 =	sadd.s32 $0x4, s20  }
.Ltmp3:
0x3f: {  	v2 =	vld [tilespmem:s21+$0xFFFFFFF0];
	[tilespmem:s18+$0x1020 ss:$0x81] =	vst.msk $0xffff, v0;
	(pc) =	sbr.rel @p1 .LBB1_3-.Ltmp3, $4  }
0x40: {  	v0 =	vld [tilespmem:s21+$0x0];
	[tilespmem:s18+$0x0 ss:$0x81] =	vst.msk $0xffff, v1  }
0x41: {  	s18 =	sshra.s32 s22, $0x2;
	v1 =	vld [tilespmem:s21+$0xFFFFFFE0]  }
0x42: {  	s18 =	sadd.s32 s18, s19  }
0x43: {  	s21 =	sadd.s32 $0x40, s21;
	[tilespmem:s18+$0x1830 ss:$0x81] =	vst.msk $0xffff, v3  }
0x44: {  	s19 =	sshrl.u32 s9, $0x5  }
0x45: {  	p1 =	sgt.s32 s10, $0x1F;
	s20 =	smov.u32 s10;
	s21 =	sshra.s32 s10, $0x1F  }
0x46: {  	s23 =	sshra.s32 s9, $0x1F;
	p2 =	sgt.s32 s7, $0x37;
	s25 =	smul.u32 $0x18800, s10  }
0x47: {  	s31 =	sshra.s32 s7, $0x1F;
	s26 =	smul.u32 $0x700, s7;
	s27 =	sshrl.u32 s9, $0x3  }
0x48: {  	s28 =	sand.u32 $0x7, s9;
	s19 =	sand.u32 $0xFFFFFC, s19;
	s20 =	simm.s32 @!p1 $0x1F  }
0x49: {  	s21 =	sand.u32 s21, s10;
	p1 =	sgt.s32 s9, $0x80;
	s23 =	sand.u32 s23, s9  }
0x4a: {  	s22 =	smulhi.u32 $0x4924925, s19;
	s20 =	ssub.s32 s20, s21;
	s21 =	smov.u32 s9  }
0x4b: {  	s24 =	sadd.s32 $0xFFFFFFE1, s20;
	s21 =	simm.s32 @!p1 $0x80;
	s20 =	ssub.s32 $0x20, s20  }
0x4c: {  	p1 =	sgt.s32 s24, $0x0;
	s21 =	ssub.s32 s21, s23;
	s20 =	smul.u32 $0x38, s20  }
0x4d: {  	s24 =	smov.u32 s7;
	s22 =	smul.u32 $0x38, s22;
	s23 =	sadd.s32 $0xFFFFFF80, s21  }
0x4e: {  	s24 =	simm.s32 @!p2 $0x37;
	p2 =	sgt.s32 s23, $0x7F;
	s23 =	sand.u32 s31, s7  }
0x4f: {  	s21 =	ssub.s32 $0x100, s21;
	s20 =	simm.s32 @p1 $0x0;
	s23 =	ssub.s32 s24, s23  }
0x50: {  	s19 =	ssub.s32 s19, s22;
	s21 =	simm.s32 @p2 $0x0;
	s24 =	sadd.s32 $0xFFFFFFC9, s23  }
0x51: {  	s20 =	smul.u32 s21, s20;
	s21 =	ssub.s32 $0x38, s23;
	p1 =	sgt.s32 s24, $0x0  }
.Ltmp4:
0x52: {  	s23 =	sadd.s32 s3, s25;
	s21 =	simm.s32 @p1 $0x0;
	(pc) =	sbr.rel .LBB1_5-.Ltmp4, $4  }
0x53: {  	[tilespmem:s18+$0x810 ss:$0x81] =	vst.msk $0xffff, v2;
	s22 =	sadd.s32 s26, s23;
	s20 =	smul.u32 s21, s20;
	s21 =	sand.u32 $0xF, s27  }
0x54: {  	[tilespmem:s18+$0x1020 ss:$0x81] =	vst.msk $0xffff, v0;
	s29 =	sshll.u32 s28, $0x12;
	s19 =	sshll.u32 s19, $0x5;
	s21 =	sadd.s32 s21, s22  }
0x55: {  	[tilespmem:s18+$0x0 ss:$0x81] =	vst.msk $0xffff, v1;
	s31 =	sor.u32 $0x400, s29;
	s30 =	sand.u32 $0x3FFFFFF8, s20;
	s19 =	sadd.s32 s19, s21  }
0x56: {  	[hbm4b:s19+s31] =	stream.strided.scatter [tilespmem:s17], [sflag:$0x2], s30, s6, s31, $0x20;
	[tilespmem:$0x8080] =	vst v63  }
.LBB1_6:
0x57: {  	_ =	sfence.sel $0x180000  }
0x58: {  	s2 =	simm.s32 $0x1;
	[bflag:$0x0] =	sbarrier.arrive $0xFFFF  }
0x59: {  	s31 =	simm.s32 $0x2;
	[sflag:s2] =	ssyncpa.u1 $0x1  }
0x5a: {  	[sflag:s31] =	ssyncpa.u1 $0x1  }
0x5b: {  	p0 =	sne.s32 s1, $0x0;
	_ =	strace $0x90000050  }
0x5c: {  	s0 =	sadd.s32 @!p0 $0x100000, s0;
	[bflag:$0x2] =	sbarrier.arrive $0xFFFF  }
0x5d: {  	[sflag:s0] =	ssyncadd.tile.s32 @!p0 $0x1;
	_ =	shalt  }
.Lfunc_end1:
_tile_overlayer_lowered:
.L_overlay_start_2:
0x5e: {  	(tag) =	ssettag $0x2  }
0x5f: {  	s0 =	rddreg [dreg:$0x0];
	s2 =	stileid.u32  }
0x60: {  	s1 =	rddreg [dreg:$0x1];
	p0 =	sne.s32 s2, $0x0  }
0x61: {  	s3 =	rddreg [dreg:$0x2];
	[bflag:$0x3] =	sbarrier.arrive $0xFFFF;
	s2 =	simm.s32 @!p0 $0x1C01  }
0x62: {  	[timem:s3], [sflag:s2] =	dma.local @!p0 [hbm:s0], s1  }
0x63: {  	s0 =	simm.s32 @!p0 $0x1  }
0x64: {  	_ =	swait.ge @!p0 [sflag:s0], s1  }
0x65: {  	s1 =	ssub.s32 @!p0 $0x0, s1;
	[sflag:s0] =	ssyncset.done @!p0 $0x0  }
0x66: {  	[sflag:s0] =	ssyncadd.s32 @!p0 s1  }
0x67: {  	[bflag:$0x3] =	sbarrier.arrive $0xFFFF  }
0x68: {  	_ =	shalt  }

</sc_bundles>
